<compile_context>
chip_gen: v7x
topology: tpu7x:2x2x1
jax: 0.10.2.dev20260603
libtpu: 0.0.44.dev20260713+nightly
codegen_flags: <defaults>
</compile_context>

<pallas_src>
import functools

import jax
import jax.numpy as jnp
import numpy as np
from jax import lax
from jax.experimental import pallas as pl
from jax.experimental.pallas import tpu as pltpu
from jax.experimental.pallas import tpu_sc as plsc

_CLIP = np.array([(1, 0, 1), (2, 0, 1), (3, 0, -1), (4, 0, -1), (5, 0, -1),
                  (6, 0, -1), (7, 0, -1), (8, 0, -1), (9, 0, -1), (12, 0, -1),
                  (13, 1, 1), (14, 1, -1), (16, 1, 1), (17, 1, -1),
                  (18, 1, 1), (19, 1, -1)], dtype=np.int64)
_ZERO = np.array([(10, 0), (10, 1), (10, 2), (11, 0), (11, 1), (11, 2),
                  (15, 0), (15, 1), (15, 2), (20, 1), (21, 1)], dtype=np.int64)

_N_ROWS = 16384
_N_COLS = 63
_N_TERMS = len(_CLIP) + len(_ZERO)
_SCALE = 1.0 / (_N_ROWS * _N_TERMS)

_P_COLS = tuple(int((j - 1) * 3 + a) for j, a, s in _CLIP if s > 0)
_N_COLS_NEG = tuple(int((j - 1) * 3 + a) for j, a, s in _CLIP if s < 0)
_Z_COLS = tuple(int((j - 1) * 3 + a) for j, a in _ZERO)
_USED = ([(c, 0) for c in _P_COLS] + [(c, 1) for c in _N_COLS_NEG]
         + [(c, 2) for c in _Z_COLS])

_SC_ROWS = _N_ROWS

_NW = 32
_COLS_PER_W = _SC_ROWS // _NW
_VECS = _COLS_PER_W // 16

_mesh = plsc.VectorSubcoreMesh(core_axis_name="c", subcore_axis_name="s")


@functools.partial(
    pl.kernel,
    out_type=jax.ShapeDtypeStruct((_NW * 16,), jnp.float32),
    mesh=_mesh,
    scratch_types=[
        pltpu.VMEM((_N_TERMS * _COLS_PER_W,), jnp.float32),
        pltpu.VMEM((16,), jnp.float32),
        pltpu.SemaphoreType.DMA,
    ],
)
def _sc_partial_sums(pose_t_hbm, out_hbm, x_v, acc_v, sem):
    wid = lax.axis_index("s") * 2 + lax.axis_index("c")
    col0 = wid * _COLS_PER_W

    handles = []
    for k, (c, _) in enumerate(_USED):
        handles.append(pltpu.async_copy(
            pose_t_hbm.at[c, pl.ds(col0, _COLS_PER_W)],
            x_v.at[pl.ds(k * _COLS_PER_W, _COLS_PER_W)],
            sem,
        ))

    zero = jnp.zeros((16,), jnp.float32)

    def make_body(rows):
        def body(j, accs):
            p0, p1, n0, n1, z0, z1 = accs
            off = j * 16
            res = [[], [], []]
            for k, kind in rows:
                x = x_v[pl.ds(k * _COLS_PER_W + off, 16)]
                if kind == 0:
                    res[0].append(jnp.maximum(x, 0.0))
                elif kind == 1:
                    res[1].append(jnp.minimum(x, 0.0))
                else:
                    res[2].append(jnp.abs(x))
            p0 = p0 + sum(res[0][0::2], zero)
            p1 = p1 + sum(res[0][1::2], zero)
            n0 = n0 + sum(res[1][0::2], zero)
            n1 = n1 + sum(res[1][1::2], zero)
            z0 = z0 + sum(res[2][0::2], zero)
            z1 = z1 + sum(res[2][1::2], zero)
            return (p0, p1, n0, n1, z0, z1)
        return body

    accs = (zero,) * 6
    todo = [(k, kind) for k, (_, kind) in enumerate(_USED)]
    for g in range(0, _N_TERMS, 9):
        for h in handles[g:g + 9]:
            h.wait()
        accs = lax.fori_loop(0, _VECS, make_body(todo[g:g + 9]), accs)
    p0, p1, n0, n1, z0, z1 = accs
    acc = ((p0 + p1) - (n0 + n1) + (z0 + z1)) * jnp.float32(_SCALE)
    acc_v[...] = acc
    pltpu.sync_copy(acc_v, out_hbm.at[pl.ds(wid * 16, 16)])


def kernel(pose):
    return jnp.sum(_sc_partial_sums(pose.T))

# --- scband reference (transcript-rebuilt; emitter-appended) ---
"""Pipeline reference for scband-smplxangle-prior-72782515798539 (READ-ONLY COPY).

The authoritative reference and input builder live on the scoring server;
editing this copy changes nothing except your own understanding.
"""

import jax, jax.numpy as jnp
import numpy as np

CLIP_IDXS_SIGNS = np.array([(1, 0, 1), (2, 0, 1), (3, 0, -1), (4, 0, -1), (5, 0, -1), (6, 0, -1), (7, 0, -1), (8, 0, -1), (9, 0, -1), (12, 0, -1), (13, 1, 1), (14, 1, -1), (16, 1, 1), (17, 1, -1), (18, 1, 1), (19, 1, -1)], dtype=np.int32)
ZERO_IDXS = np.array([(10, 0), (10, 1), (10, 2), (11, 0), (11, 1), (11, 2), (15, 0), (15, 1), (15, 2), (20, 1), (21, 1)], dtype=np.int32)


def setup_inputs(seed: int = 0) -> dict:
    key = jax.random.key(seed)
    pose = jax.random.normal(key, (16384, 63), dtype=jnp.float32)
    return {"pose": pose}


def reference(pose):
    # with_pelvis=False path: shift joint indices by -1
    cdata = CLIP_IDXS_SIGNS.copy()
    cdata[:, 0] -= 1
    zdata = ZERO_IDXS.copy()
    zdata[:, 0] -= 1
    cidxs = jnp.asarray(cdata[:, 0] * 3 + cdata[:, 1], dtype=jnp.int32)
    csigns = jnp.asarray(cdata[:, 2], dtype=pose.dtype)
    cres = jax.nn.relu(jnp.take(pose, cidxs, axis=1) * csigns[None, :])
    zidxs = jnp.asarray(zdata[:, 0] * 3 + zdata[:, 1], dtype=jnp.int32)
    zres = jnp.abs(jnp.take(pose, zidxs, axis=1))
    loss = jnp.mean(jnp.concatenate((cres, zres), axis=1))
    return loss

if __name__ == "__main__":
    import jax
    _d = setup_inputs()
    print(jax.jit(kernel)(*tuple(_d.values())))

</pallas_src>

<mosaic_0001>
#map = affine_map<(d0, d1) -> (0, 0)>
#map1 = affine_map<(d0, d1) -> (0)>
module attributes {stable_mosaic.version = 14 : i64} {
  func.func @_sc_partial_sums(%arg0: i32, %arg1: i32, %arg2: memref<63x16384xf32, #tpu.memory_space<hbm>>, %arg3: memref<512xf32, #tpu.memory_space<hbm>>, %arg4: memref<13824xf32, #tpu.memory_space<vmem>>, %arg5: memref<16xf32, #tpu.memory_space<vmem>>, %arg6: memref<!tpu.dma_semaphore, #tpu.memory_space<semaphore_mem>>) attributes {dimension_semantics = [#tpu.dimension_semantics<core_parallel>, #tpu.dimension_semantics<subcore_parallel>], iteration_bounds = array<i64: 2, 16>, scalar_prefetch = 0 : i64, scratch_operands = 3 : i64, tpu.core_type = #tpu.core_type<sc_vector_subcore>, window_params = [{transform_indices = #map}, {transform_indices = #map1}]} {
    %mul3A = arith.constant 2 : i32
    %mul3A_0 = arith.muli %arg1, %mul3A : i32
    %add3A = arith.addi %mul3A_0, %arg0 : i32
    %mul3A_1 = arith.constant 512 : i32
    %mul3A_2 = arith.muli %add3A, %mul3A_1 : i32
    %dma_start3A = arith.constant 0 : i32
    %dma_start3A_3 = arith.constant 0 : i32
    %dma_start3A_4 = tpu.memref_slice %arg4[%dma_start3A_3] : memref<13824xf32, #tpu.memory_space<vmem>> -> memref<512xf32, #tpu.memory_space<vmem>>
    %dma_start3A_5 = tpu.memref_slice %arg2[%dma_start3A, %mul3A_2] : memref<63x16384xf32, #tpu.memory_space<hbm>> -> memref<1x512xf32, #tpu.memory_space<hbm>>
    %dma_start3A_6 = tpu.memref_squeeze %dma_start3A_5 : memref<1x512xf32, #tpu.memory_space<hbm>> -> memref<512xf32, #tpu.memory_space<hbm>>
    %dma_start3A_7 = arith.constant 0 : i32
    %dma_start3A_8 = tpu.memref_slice %arg4[%dma_start3A_7] : memref<13824xf32, #tpu.memory_space<vmem>> -> memref<512xf32, #tpu.memory_space<vmem>>
    %dma_start3A_9 = tpu.memref_slice %arg2[%dma_start3A, %mul3A_2] : memref<63x16384xf32, #tpu.memory_space<hbm>> -> memref<1x512xf32, #tpu.memory_space<hbm>>
    %dma_start3A_10 = tpu.memref_squeeze %dma_start3A_9 : memref<1x512xf32, #tpu.memory_space<hbm>> -> memref<512xf32, #tpu.memory_space<hbm>>
    tpu.enqueue_dma source(%dma_start3A_10 : memref<512xf32, #tpu.memory_space<hbm>>) target(%dma_start3A_8 : memref<512xf32, #tpu.memory_space<vmem>>) target_semaphore(%arg6 : memref<!tpu.dma_semaphore, #tpu.memory_space<semaphore_mem>>)
    %dma_start3A_11 = arith.constant 3 : i32
    %dma_start3A_12 = arith.constant 512 : i32
    %dma_start3A_13 = tpu.memref_slice %arg4[%dma_start3A_12] : memref<13824xf32, #tpu.memory_space<vmem>> -> memref<512xf32, #tpu.memory_space<vmem>>
    %dma_start3A_14 = tpu.memref_slice %arg2[%dma_start3A_11, %mul3A_2] : memref<63x16384xf32, #tpu.memory_space<hbm>> -> memref<1x512xf32, #tpu.memory_space<hbm>>
    %dma_start3A_15 = tpu.memref_squeeze %dma_start3A_14 : memref<1x512xf32, #tpu.memory_space<hbm>> -> memref<512xf32, #tpu.memory_space<hbm>>
    %dma_start3A_16 = arith.constant 512 : i32
    %dma_start3A_17 = tpu.memref_slice %arg4[%dma_start3A_16] : memref<13824xf32, #tpu.memory_space<vmem>> -> memref<512xf32, #tpu.memory_space<vmem>>
    %dma_start3A_18 = tpu.memref_slice %arg2[%dma_start3A_11, %mul3A_2] : memref<63x16384xf32, #tpu.memory_space<hbm>> -> memref<1x512xf32, #tpu.memory_space<hbm>>
    %dma_start3A_19 = tpu.memref_squeeze %dma_start3A_18 : memref<1x512xf32, #tpu.memory_space<hbm>> -> memref<512xf32, #tpu.memory_space<hbm>>
    tpu.enqueue_dma source(%dma_start3A_19 : memref<512xf32, #tpu.memory_space<hbm>>) target(%dma_start3A_17 : memref<512xf32, #tpu.memory_space<vmem>>) target_semaphore(%arg6 : memref<!tpu.dma_semaphore, #tpu.memory_space<semaphore_mem>>)
    %dma_start3A_20 = arith.constant 37 : i32
    %dma_start3A_21 = arith.constant 1024 : i32
    %dma_start3A_22 = tpu.memref_slice %arg4[%dma_start3A_21] : memref<13824xf32, #tpu.memory_space<vmem>> -> memref<512xf32, #tpu.memory_space<vmem>>
    %dma_start3A_23 = tpu.memref_slice %arg2[%dma_start3A_20, %mul3A_2] : memref<63x16384xf32, #tpu.memory_space<hbm>> -> memref<1x512xf32, #tpu.memory_space<hbm>>
    %dma_start3A_24 = tpu.memref_squeeze %dma_start3A_23 : memref<1x512xf32, #tpu.memory_space<hbm>> -> memref<512xf32, #tpu.memory_space<hbm>>
    %dma_start3A_25 = arith.constant 1024 : i32
    %dma_start3A_26 = tpu.memref_slice %arg4[%dma_start3A_25] : memref<13824xf32, #tpu.memory_space<vmem>> -> memref<512xf32, #tpu.memory_space<vmem>>
    %dma_start3A_27 = tpu.memref_slice %arg2[%dma_start3A_20, %mul3A_2] : memref<63x16384xf32, #tpu.memory_space<hbm>> -> memref<1x512xf32, #tpu.memory_space<hbm>>
    %dma_start3A_28 = tpu.memref_squeeze %dma_start3A_27 : memref<1x512xf32, #tpu.memory_space<hbm>> -> memref<512xf32, #tpu.memory_space<hbm>>
    tpu.enqueue_dma source(%dma_start3A_28 : memref<512xf32, #tpu.memory_space<hbm>>) target(%dma_start3A_26 : memref<512xf32, #tpu.memory_space<vmem>>) target_semaphore(%arg6 : memref<!tpu.dma_semaphore, #tpu.memory_space<semaphore_mem>>)
    %dma_start3A_29 = arith.constant 46 : i32
    %dma_start3A_30 = arith.constant 1536 : i32
    %dma_start3A_31 = tpu.memref_slice %arg4[%dma_start3A_30] : memref<13824xf32, #tpu.memory_space<vmem>> -> memref<512xf32, #tpu.memory_space<vmem>>
    %dma_start3A_32 = tpu.memref_slice %arg2[%dma_start3A_29, %mul3A_2] : memref<63x16384xf32, #tpu.memory_space<hbm>> -> memref<1x512xf32, #tpu.memory_space<hbm>>
    %dma_start3A_33 = tpu.memref_squeeze %dma_start3A_32 : memref<1x512xf32, #tpu.memory_space<hbm>> -> memref<512xf32, #tpu.memory_space<hbm>>
    %dma_start3A_34 = arith.constant 1536 : i32
    %dma_start3A_35 = tpu.memref_slice %arg4[%dma_start3A_34] : memref<13824xf32, #tpu.memory_space<vmem>> -> memref<512xf32, #tpu.memory_space<vmem>>
    %dma_start3A_36 = tpu.memref_slice %arg2[%dma_start3A_29, %mul3A_2] : memref<63x16384xf32, #tpu.memory_space<hbm>> -> memref<1x512xf32, #tpu.memory_space<hbm>>
    %dma_start3A_37 = tpu.memref_squeeze %dma_start3A_36 : memref<1x512xf32, #tpu.memory_space<hbm>> -> memref<512xf32, #tpu.memory_space<hbm>>
    tpu.enqueue_dma source(%dma_start3A_37 : memref<512xf32, #tpu.memory_space<hbm>>) target(%dma_start3A_35 : memref<512xf32, #tpu.memory_space<vmem>>) target_semaphore(%arg6 : memref<!tpu.dma_semaphore, #tpu.memory_space<semaphore_mem>>)
    %dma_start3A_38 = arith.constant 52 : i32
    %dma_start3A_39 = arith.constant 2048 : i32
    %dma_start3A_40 = tpu.memref_slice %arg4[%dma_start3A_39] : memref<13824xf32, #tpu.memory_space<vmem>> -> memref<512xf32, #tpu.memory_space<vmem>>
    %dma_start3A_41 = tpu.memref_slice %arg2[%dma_start3A_38, %mul3A_2] : memref<63x16384xf32, #tpu.memory_space<hbm>> -> memref<1x512xf32, #tpu.memory_space<hbm>>
    %dma_start3A_42 = tpu.memref_squeeze %dma_start3A_41 : memref<1x512xf32, #tpu.memory_space<hbm>> -> memref<512xf32, #tpu.memory_space<hbm>>
    %dma_start3A_43 = arith.constant 2048 : i32
    %dma_start3A_44 = tpu.memref_slice %arg4[%dma_start3A_43] : memref<13824xf32, #tpu.memory_space<vmem>> -> memref<512xf32, #tpu.memory_space<vmem>>
    %dma_start3A_45 = tpu.memref_slice %arg2[%dma_start3A_38, %mul3A_2] : memref<63x16384xf32, #tpu.memory_space<hbm>> -> memref<1x512xf32, #tpu.memory_space<hbm>>
    %dma_start3A_46 = tpu.memref_squeeze %dma_start3A_45 : memref<1x512xf32, #tpu.memory_space<hbm>> -> memref<512xf32, #tpu.memory_space<hbm>>
    tpu.enqueue_dma source(%dma_start3A_46 : memref<512xf32, #tpu.memory_space<hbm>>) target(%dma_start3A_44 : memref<512xf32, #tpu.memory_space<vmem>>) target_semaphore(%arg6 : memref<!tpu.dma_semaphore, #tpu.memory_space<semaphore_mem>>)
    %dma_start3A_47 = arith.constant 6 : i32
    %dma_start3A_48 = arith.constant 2560 : i32
    %dma_start3A_49 = tpu.memref_slice %arg4[%dma_start3A_48] : memref<13824xf32, #tpu.memory_space<vmem>> -> memref<512xf32, #tpu.memory_space<vmem>>
    %dma_start3A_50 = tpu.memref_slice %arg2[%dma_start3A_47, %mul3A_2] : memref<63x16384xf32, #tpu.memory_space<hbm>> -> memref<1x512xf32, #tpu.memory_space<hbm>>
    %dma_start3A_51 = tpu.memref_squeeze %dma_start3A_50 : memref<1x512xf32, #tpu.memory_space<hbm>> -> memref<512xf32, #tpu.memory_space<hbm>>
    %dma_start3A_52 = arith.constant 2560 : i32
    %dma_start3A_53 = tpu.memref_slice %arg4[%dma_start3A_52] : memref<13824xf32, #tpu.memory_space<vmem>> -> memref<512xf32, #tpu.memory_space<vmem>>
    %dma_start3A_54 = tpu.memref_slice %arg2[%dma_start3A_47, %mul3A_2] : memref<63x16384xf32, #tpu.memory_space<hbm>> -> memref<1x512xf32, #tpu.memory_space<hbm>>
    %dma_start3A_55 = tpu.memref_squeeze %dma_start3A_54 : memref<1x512xf32, #tpu.memory_space<hbm>> -> memref<512xf32, #tpu.memory_space<hbm>>
    tpu.enqueue_dma source(%dma_start3A_55 : memref<512xf32, #tpu.memory_space<hbm>>) target(%dma_start3A_53 : memref<512xf32, #tpu.memory_space<vmem>>) target_semaphore(%arg6 : memref<!tpu.dma_semaphore, #tpu.memory_space<semaphore_mem>>)
    %dma_start3A_56 = arith.constant 9 : i32
    %dma_start3A_57 = arith.constant 3072 : i32
    %dma_start3A_58 = tpu.memref_slice %arg4[%dma_start3A_57] : memref<13824xf32, #tpu.memory_space<vmem>> -> memref<512xf32, #tpu.memory_space<vmem>>
    %dma_start3A_59 = tpu.memref_slice %arg2[%dma_start3A_56, %mul3A_2] : memref<63x16384xf32, #tpu.memory_space<hbm>> -> memref<1x512xf32, #tpu.memory_space<hbm>>
    %dma_start3A_60 = tpu.memref_squeeze %dma_start3A_59 : memref<1x512xf32, #tpu.memory_space<hbm>> -> memref<512xf32, #tpu.memory_space<hbm>>
    %dma_start3A_61 = arith.constant 3072 : i32
    %dma_start3A_62 = tpu.memref_slice %arg4[%dma_start3A_61] : memref<13824xf32, #tpu.memory_space<vmem>> -> memref<512xf32, #tpu.memory_space<vmem>>
    %dma_start3A_63 = tpu.memref_slice %arg2[%dma_start3A_56, %mul3A_2] : memref<63x16384xf32, #tpu.memory_space<hbm>> -> memref<1x512xf32, #tpu.memory_space<hbm>>
    %dma_start3A_64 = tpu.memref_squeeze %dma_start3A_63 : memref<1x512xf32, #tpu.memory_space<hbm>> -> memref<512xf32, #tpu.memory_space<hbm>>
    tpu.enqueue_dma source(%dma_start3A_64 : memref<512xf32, #tpu.memory_space<hbm>>) target(%dma_start3A_62 : memref<512xf32, #tpu.memory_space<vmem>>) target_semaphore(%arg6 : memref<!tpu.dma_semaphore, #tpu.memory_space<semaphore_mem>>)
    %dma_start3A_65 = arith.constant 12 : i32
    %dma_start3A_66 = arith.constant 3584 : i32
    %dma_start3A_67 = tpu.memref_slice %arg4[%dma_start3A_66] : memref<13824xf32, #tpu.memory_space<vmem>> -> memref<512xf32, #tpu.memory_space<vmem>>
    %dma_start3A_68 = tpu.memref_slice %arg2[%dma_start3A_65, %mul3A_2] : memref<63x16384xf32, #tpu.memory_space<hbm>> -> memref<1x512xf32, #tpu.memory_space<hbm>>
    %dma_start3A_69 = tpu.memref_squeeze %dma_start3A_68 : memref<1x512xf32, #tpu.memory_space<hbm>> -> memref<512xf32, #tpu.memory_space<hbm>>
    %dma_start3A_70 = arith.constant 3584 : i32
    %dma_start3A_71 = tpu.memref_slice %arg4[%dma_start3A_70] : memref<13824xf32, #tpu.memory_space<vmem>> -> memref<512xf32, #tpu.memory_space<vmem>>
    %dma_start3A_72 = tpu.memref_slice %arg2[%dma_start3A_65, %mul3A_2] : memref<63x16384xf32, #tpu.memory_space<hbm>> -> memref<1x512xf32, #tpu.memory_space<hbm>>
    %dma_start3A_73 = tpu.memref_squeeze %dma_start3A_72 : memref<1x512xf32, #tpu.memory_space<hbm>> -> memref<512xf32, #tpu.memory_space<hbm>>
    tpu.enqueue_dma source(%dma_start3A_73 : memref<512xf32, #tpu.memory_space<hbm>>) target(%dma_start3A_71 : memref<512xf32, #tpu.memory_space<vmem>>) target_semaphore(%arg6 : memref<!tpu.dma_semaphore, #tpu.memory_space<semaphore_mem>>)
    %dma_start3A_74 = arith.constant 15 : i32
    %dma_start3A_75 = arith.constant 4096 : i32
    %dma_start3A_76 = tpu.memref_slice %arg4[%dma_start3A_75] : memref<13824xf32, #tpu.memory_space<vmem>> -> memref<512xf32, #tpu.memory_space<vmem>>
    %dma_start3A_77 = tpu.memref_slice %arg2[%dma_start3A_74, %mul3A_2] : memref<63x16384xf32, #tpu.memory_space<hbm>> -> memref<1x512xf32, #tpu.memory_space<hbm>>
    %dma_start3A_78 = tpu.memref_squeeze %dma_start3A_77 : memref<1x512xf32, #tpu.memory_space<hbm>> -> memref<512xf32, #tpu.memory_space<hbm>>
    %dma_start3A_79 = arith.constant 4096 : i32
    %dma_start3A_80 = tpu.memref_slice %arg4[%dma_start3A_79] : memref<13824xf32, #tpu.memory_space<vmem>> -> memref<512xf32, #tpu.memory_space<vmem>>
    %dma_start3A_81 = tpu.memref_slice %arg2[%dma_start3A_74, %mul3A_2] : memref<63x16384xf32, #tpu.memory_space<hbm>> -> memref<1x512xf32, #tpu.memory_space<hbm>>
    %dma_start3A_82 = tpu.memref_squeeze %dma_start3A_81 : memref<1x512xf32, #tpu.memory_space<hbm>> -> memref<512xf32, #tpu.memory_space<hbm>>
    tpu.enqueue_dma source(%dma_start3A_82 : memref<512xf32, #tpu.memory_space<hbm>>) target(%dma_start3A_80 : memref<512xf32, #tpu.memory_space<vmem>>) target_semaphore(%arg6 : memref<!tpu.dma_semaphore, #tpu.memory_space<semaphore_mem>>)
    %dma_start3A_83 = arith.constant 18 : i32
    %dma_start3A_84 = arith.constant 4608 : i32
    %dma_start3A_85 = tpu.memref_slice %arg4[%dma_start3A_84] : memref<13824xf32, #tpu.memory_space<vmem>> -> memref<512xf32, #tpu.memory_space<vmem>>
    %dma_start3A_86 = tpu.memref_slice %arg2[%dma_start3A_83, %mul3A_2] : memref<63x16384xf32, #tpu.memory_space<hbm>> -> memref<1x512xf32, #tpu.memory_space<hbm>>
    %dma_start3A_87 = tpu.memref_squeeze %dma_start3A_86 : memref<1x512xf32, #tpu.memory_space<hbm>> -> memref<512xf32, #tpu.memory_space<hbm>>
    %dma_start3A_88 = arith.constant 4608 : i32
    %dma_start3A_89 = tpu.memref_slice %arg4[%dma_start3A_88] : memref<13824xf32, #tpu.memory_space<vmem>> -> memref<512xf32, #tpu.memory_space<vmem>>
    %dma_start3A_90 = tpu.memref_slice %arg2[%dma_start3A_83, %mul3A_2] : memref<63x16384xf32, #tpu.memory_space<hbm>> -> memref<1x512xf32, #tpu.memory_space<hbm>>
    %dma_start3A_91 = tpu.memref_squeeze %dma_start3A_90 : memref<1x512xf32, #tpu.memory_space<hbm>> -> memref<512xf32, #tpu.memory_space<hbm>>
    tpu.enqueue_dma source(%dma_start3A_91 : memref<512xf32, #tpu.memory_space<hbm>>) target(%dma_start3A_89 : memref<512xf32, #tpu.memory_space<vmem>>) target_semaphore(%arg6 : memref<!tpu.dma_semaphore, #tpu.memory_space<semaphore_mem>>)
    %dma_start3A_92 = arith.constant 21 : i32
    %dma_start3A_93 = arith.constant 5120 : i32
    %dma_start3A_94 = tpu.memref_slice %arg4[%dma_start3A_93] : memref<13824xf32, #tpu.memory_space<vmem>> -> memref<512xf32, #tpu.memory_space<vmem>>
    %dma_start3A_95 = tpu.memref_slice %arg2[%dma_start3A_92, %mul3A_2] : memref<63x16384xf32, #tpu.memory_space<hbm>> -> memref<1x512xf32, #tpu.memory_space<hbm>>
    %dma_start3A_96 = tpu.memref_squeeze %dma_start3A_95 : memref<1x512xf32, #tpu.memory_space<hbm>> -> memref<512xf32, #tpu.memory_space<hbm>>
    %dma_start3A_97 = arith.constant 5120 : i32
    %dma_start3A_98 = tpu.memref_slice %arg4[%dma_start3A_97] : memref<13824xf32, #tpu.memory_space<vmem>> -> memref<512xf32, #tpu.memory_space<vmem>>
    %dma_start3A_99 = tpu.memref_slice %arg2[%dma_start3A_92, %mul3A_2] : memref<63x16384xf32, #tpu.memory_space<hbm>> -> memref<1x512xf32, #tpu.memory_space<hbm>>
    %dma_start3A_100 = tpu.memref_squeeze %dma_start3A_99 : memref<1x512xf32, #tpu.memory_space<hbm>> -> memref<512xf32, #tpu.memory_space<hbm>>
    tpu.enqueue_dma source(%dma_start3A_100 : memref<512xf32, #tpu.memory_space<hbm>>) target(%dma_start3A_98 : memref<512xf32, #tpu.memory_space<vmem>>) target_semaphore(%arg6 : memref<!tpu.dma_semaphore, #tpu.memory_space<semaphore_mem>>)
    %dma_start3A_101 = arith.constant 24 : i32
    %dma_start3A_102 = arith.constant 5632 : i32
    %dma_start3A_103 = tpu.memref_slice %arg4[%dma_start3A_102] : memref<13824xf32, #tpu.memory_space<vmem>> -> memref<512xf32, #tpu.memory_space<vmem>>
    %dma_start3A_104 = tpu.memref_slice %arg2[%dma_start3A_101, %mul3A_2] : memref<63x16384xf32, #tpu.memory_space<hbm>> -> memref<1x512xf32, #tpu.memory_space<hbm>>
    %dma_start3A_105 = tpu.memref_squeeze %dma_start3A_104 : memref<1x512xf32, #tpu.memory_space<hbm>> -> memref<512xf32, #tpu.memory_space<hbm>>
    %dma_start3A_106 = arith.constant 5632 : i32
    %dma_start3A_107 = tpu.memref_slice %arg4[%dma_start3A_106] : memref<13824xf32, #tpu.memory_space<vmem>> -> memref<512xf32, #tpu.memory_space<vmem>>
    %dma_start3A_108 = tpu.memref_slice %arg2[%dma_start3A_101, %mul3A_2] : memref<63x16384xf32, #tpu.memory_space<hbm>> -> memref<1x512xf32, #tpu.memory_space<hbm>>
    %dma_start3A_109 = tpu.memref_squeeze %dma_start3A_108 : memref<1x512xf32, #tpu.memory_space<hbm>> -> memref<512xf32, #tpu.memory_space<hbm>>
    tpu.enqueue_dma source(%dma_start3A_109 : memref<512xf32, #tpu.memory_space<hbm>>) target(%dma_start3A_107 : memref<512xf32, #tpu.memory_space<vmem>>) target_semaphore(%arg6 : memref<!tpu.dma_semaphore, #tpu.memory_space<semaphore_mem>>)
    %dma_start3A_110 = arith.constant 33 : i32
    %dma_start3A_111 = arith.constant 6144 : i32
    %dma_start3A_112 = tpu.memref_slice %arg4[%dma_start3A_111] : memref<13824xf32, #tpu.memory_space<vmem>> -> memref<512xf32, #tpu.memory_space<vmem>>
    %dma_start3A_113 = tpu.memref_slice %arg2[%dma_start3A_110, %mul3A_2] : memref<63x16384xf32, #tpu.memory_space<hbm>> -> memref<1x512xf32, #tpu.memory_space<hbm>>
    %dma_start3A_114 = tpu.memref_squeeze %dma_start3A_113 : memref<1x512xf32, #tpu.memory_space<hbm>> -> memref<512xf32, #tpu.memory_space<hbm>>
    %dma_start3A_115 = arith.constant 6144 : i32
    %dma_start3A_116 = tpu.memref_slice %arg4[%dma_start3A_115] : memref<13824xf32, #tpu.memory_space<vmem>> -> memref<512xf32, #tpu.memory_space<vmem>>
    %dma_start3A_117 = tpu.memref_slice %arg2[%dma_start3A_110, %mul3A_2] : memref<63x16384xf32, #tpu.memory_space<hbm>> -> memref<1x512xf32, #tpu.memory_space<hbm>>
    %dma_start3A_118 = tpu.memref_squeeze %dma_start3A_117 : memref<1x512xf32, #tpu.memory_space<hbm>> -> memref<512xf32, #tpu.memory_space<hbm>>
    tpu.enqueue_dma source(%dma_start3A_118 : memref<512xf32, #tpu.memory_space<hbm>>) target(%dma_start3A_116 : memref<512xf32, #tpu.memory_space<vmem>>) target_semaphore(%arg6 : memref<!tpu.dma_semaphore, #tpu.memory_space<semaphore_mem>>)
    %dma_start3A_119 = arith.constant 40 : i32
    %dma_start3A_120 = arith.constant 6656 : i32
    %dma_start3A_121 = tpu.memref_slice %arg4[%dma_start3A_120] : memref<13824xf32, #tpu.memory_space<vmem>> -> memref<512xf32, #tpu.memory_space<vmem>>
    %dma_start3A_122 = tpu.memref_slice %arg2[%dma_start3A_119, %mul3A_2] : memref<63x16384xf32, #tpu.memory_space<hbm>> -> memref<1x512xf32, #tpu.memory_space<hbm>>
    %dma_start3A_123 = tpu.memref_squeeze %dma_start3A_122 : memref<1x512xf32, #tpu.memory_space<hbm>> -> memref<512xf32, #tpu.memory_space<hbm>>
    %dma_start3A_124 = arith.constant 6656 : i32
    %dma_start3A_125 = tpu.memref_slice %arg4[%dma_start3A_124] : memref<13824xf32, #tpu.memory_space<vmem>> -> memref<512xf32, #tpu.memory_space<vmem>>
    %dma_start3A_126 = tpu.memref_slice %arg2[%dma_start3A_119, %mul3A_2] : memref<63x16384xf32, #tpu.memory_space<hbm>> -> memref<1x512xf32, #tpu.memory_space<hbm>>
    %dma_start3A_127 = tpu.memref_squeeze %dma_start3A_126 : memref<1x512xf32, #tpu.memory_space<hbm>> -> memref<512xf32, #tpu.memory_space<hbm>>
    tpu.enqueue_dma source(%dma_start3A_127 : memref<512xf32, #tpu.memory_space<hbm>>) target(%dma_start3A_125 : memref<512xf32, #tpu.memory_space<vmem>>) target_semaphore(%arg6 : memref<!tpu.dma_semaphore, #tpu.memory_space<semaphore_mem>>)
    %dma_start3A_128 = arith.constant 49 : i32
    %dma_start3A_129 = arith.constant 7168 : i32
    %dma_start3A_130 = tpu.memref_slice %arg4[%dma_start3A_129] : memref<13824xf32, #tpu.memory_space<vmem>> -> memref<512xf32, #tpu.memory_space<vmem>>
    %dma_start3A_131 = tpu.memref_slice %arg2[%dma_start3A_128, %mul3A_2] : memref<63x16384xf32, #tpu.memory_space<hbm>> -> memref<1x512xf32, #tpu.memory_space<hbm>>
    %dma_start3A_132 = tpu.memref_squeeze %dma_start3A_131 : memref<1x512xf32, #tpu.memory_space<hbm>> -> memref<512xf32, #tpu.memory_space<hbm>>
    %dma_start3A_133 = arith.constant 7168 : i32
    %dma_start3A_134 = tpu.memref_slice %arg4[%dma_start3A_133] : memref<13824xf32, #tpu.memory_space<vmem>> -> memref<512xf32, #tpu.memory_space<vmem>>
    %dma_start3A_135 = tpu.memref_slice %arg2[%dma_start3A_128, %mul3A_2] : memref<63x16384xf32, #tpu.memory_space<hbm>> -> memref<1x512xf32, #tpu.memory_space<hbm>>
    %dma_start3A_136 = tpu.memref_squeeze %dma_start3A_135 : memref<1x512xf32, #tpu.memory_space<hbm>> -> memref<512xf32, #tpu.memory_space<hbm>>
    tpu.enqueue_dma source(%dma_start3A_136 : memref<512xf32, #tpu.memory_space<hbm>>) target(%dma_start3A_134 : memref<512xf32, #tpu.memory_space<vmem>>) target_semaphore(%arg6 : memref<!tpu.dma_semaphore, #tpu.memory_space<semaphore_mem>>)
    %dma_start3A_137 = arith.constant 55 : i32
    %dma_start3A_138 = arith.constant 7680 : i32
    %dma_start3A_139 = tpu.memref_slice %arg4[%dma_start3A_138] : memref<13824xf32, #tpu.memory_space<vmem>> -> memref<512xf32, #tpu.memory_space<vmem>>
    %dma_start3A_140 = tpu.memref_slice %arg2[%dma_start3A_137, %mul3A_2] : memref<63x16384xf32, #tpu.memory_space<hbm>> -> memref<1x512xf32, #tpu.memory_space<hbm>>
    %dma_start3A_141 = tpu.memref_squeeze %dma_start3A_140 : memref<1x512xf32, #tpu.memory_space<hbm>> -> memref<512xf32, #tpu.memory_space<hbm>>
    %dma_start3A_142 = arith.constant 7680 : i32
    %dma_start3A_143 = tpu.memref_slice %arg4[%dma_start3A_142] : memref<13824xf32, #tpu.memory_space<vmem>> -> memref<512xf32, #tpu.memory_space<vmem>>
    %dma_start3A_144 = tpu.memref_slice %arg2[%dma_start3A_137, %mul3A_2] : memref<63x16384xf32, #tpu.memory_space<hbm>> -> memref<1x512xf32, #tpu.memory_space<hbm>>
    %dma_start3A_145 = tpu.memref_squeeze %dma_start3A_144 : memref<1x512xf32, #tpu.memory_space<hbm>> -> memref<512xf32, #tpu.memory_space<hbm>>
    tpu.enqueue_dma source(%dma_start3A_145 : memref<512xf32, #tpu.memory_space<hbm>>) target(%dma_start3A_143 : memref<512xf32, #tpu.memory_space<vmem>>) target_semaphore(%arg6 : memref<!tpu.dma_semaphore, #tpu.memory_space<semaphore_mem>>)
    %dma_start3A_146 = arith.constant 27 : i32
    %dma_start3A_147 = arith.constant 8192 : i32
    %dma_start3A_148 = tpu.memref_slice %arg4[%dma_start3A_147] : memref<13824xf32, #tpu.memory_space<vmem>> -> memref<512xf32, #tpu.memory_space<vmem>>
    %dma_start3A_149 = tpu.memref_slice %arg2[%dma_start3A_146, %mul3A_2] : memref<63x16384xf32, #tpu.memory_space<hbm>> -> memref<1x512xf32, #tpu.memory_space<hbm>>
    %dma_start3A_150 = tpu.memref_squeeze %dma_start3A_149 : memref<1x512xf32, #tpu.memory_space<hbm>> -> memref<512xf32, #tpu.memory_space<hbm>>
    %dma_start3A_151 = arith.constant 8192 : i32
    %dma_start3A_152 = tpu.memref_slice %arg4[%dma_start3A_151] : memref<13824xf32, #tpu.memory_space<vmem>> -> memref<512xf32, #tpu.memory_space<vmem>>
    %dma_start3A_153 = tpu.memref_slice %arg2[%dma_start3A_146, %mul3A_2] : memref<63x16384xf32, #tpu.memory_space<hbm>> -> memref<1x512xf32, #tpu.memory_space<hbm>>
    %dma_start3A_154 = tpu.memref_squeeze %dma_start3A_153 : memref<1x512xf32, #tpu.memory_space<hbm>> -> memref<512xf32, #tpu.memory_space<hbm>>
    tpu.enqueue_dma source(%dma_start3A_154 : memref<512xf32, #tpu.memory_space<hbm>>) target(%dma_start3A_152 : memref<512xf32, #tpu.memory_space<vmem>>) target_semaphore(%arg6 : memref<!tpu.dma_semaphore, #tpu.memory_space<semaphore_mem>>)
    %dma_start3A_155 = arith.constant 28 : i32
    %dma_start3A_156 = arith.constant 8704 : i32
    %dma_start3A_157 = tpu.memref_slice %arg4[%dma_start3A_156] : memref<13824xf32, #tpu.memory_space<vmem>> -> memref<512xf32, #tpu.memory_space<vmem>>
    %dma_start3A_158 = tpu.memref_slice %arg2[%dma_start3A_155, %mul3A_2] : memref<63x16384xf32, #tpu.memory_space<hbm>> -> memref<1x512xf32, #tpu.memory_space<hbm>>
    %dma_start3A_159 = tpu.memref_squeeze %dma_start3A_158 : memref<1x512xf32, #tpu.memory_space<hbm>> -> memref<512xf32, #tpu.memory_space<hbm>>
    %dma_start3A_160 = arith.constant 8704 : i32
    %dma_start3A_161 = tpu.memref_slice %arg4[%dma_start3A_160] : memref<13824xf32, #tpu.memory_space<vmem>> -> memref<512xf32, #tpu.memory_space<vmem>>
    %dma_start3A_162 = tpu.memref_slice %arg2[%dma_start3A_155, %mul3A_2] : memref<63x16384xf32, #tpu.memory_space<hbm>> -> memref<1x512xf32, #tpu.memory_space<hbm>>
    %dma_start3A_163 = tpu.memref_squeeze %dma_start3A_162 : memref<1x512xf32, #tpu.memory_space<hbm>> -> memref<512xf32, #tpu.memory_space<hbm>>
    tpu.enqueue_dma source(%dma_start3A_163 : memref<512xf32, #tpu.memory_space<hbm>>) target(%dma_start3A_161 : memref<512xf32, #tpu.memory_space<vmem>>) target_semaphore(%arg6 : memref<!tpu.dma_semaphore, #tpu.memory_space<semaphore_mem>>)
    %dma_start3A_164 = arith.constant 29 : i32
    %dma_start3A_165 = arith.constant 9216 : i32
    %dma_start3A_166 = tpu.memref_slice %arg4[%dma_start3A_165] : memref<13824xf32, #tpu.memory_space<vmem>> -> memref<512xf32, #tpu.memory_space<vmem>>
    %dma_start3A_167 = tpu.memref_slice %arg2[%dma_start3A_164, %mul3A_2] : memref<63x16384xf32, #tpu.memory_space<hbm>> -> memref<1x512xf32, #tpu.memory_space<hbm>>
    %dma_start3A_168 = tpu.memref_squeeze %dma_start3A_167 : memref<1x512xf32, #tpu.memory_space<hbm>> -> memref<512xf32, #tpu.memory_space<hbm>>
    %dma_start3A_169 = arith.constant 9216 : i32
    %dma_start3A_170 = tpu.memref_slice %arg4[%dma_start3A_169] : memref<13824xf32, #tpu.memory_space<vmem>> -> memref<512xf32, #tpu.memory_space<vmem>>
    %dma_start3A_171 = tpu.memref_slice %arg2[%dma_start3A_164, %mul3A_2] : memref<63x16384xf32, #tpu.memory_space<hbm>> -> memref<1x512xf32, #tpu.memory_space<hbm>>
    %dma_start3A_172 = tpu.memref_squeeze %dma_start3A_171 : memref<1x512xf32, #tpu.memory_space<hbm>> -> memref<512xf32, #tpu.memory_space<hbm>>
    tpu.enqueue_dma source(%dma_start3A_172 : memref<512xf32, #tpu.memory_space<hbm>>) target(%dma_start3A_170 : memref<512xf32, #tpu.memory_space<vmem>>) target_semaphore(%arg6 : memref<!tpu.dma_semaphore, #tpu.memory_space<semaphore_mem>>)
    %dma_start3A_173 = arith.constant 30 : i32
    %dma_start3A_174 = arith.constant 9728 : i32
    %dma_start3A_175 = tpu.memref_slice %arg4[%dma_start3A_174] : memref<13824xf32, #tpu.memory_space<vmem>> -> memref<512xf32, #tpu.memory_space<vmem>>
    %dma_start3A_176 = tpu.memref_slice %arg2[%dma_start3A_173, %mul3A_2] : memref<63x16384xf32, #tpu.memory_space<hbm>> -> memref<1x512xf32, #tpu.memory_space<hbm>>
    %dma_start3A_177 = tpu.memref_squeeze %dma_start3A_176 : memref<1x512xf32, #tpu.memory_space<hbm>> -> memref<512xf32, #tpu.memory_space<hbm>>
    %dma_start3A_178 = arith.constant 9728 : i32
    %dma_start3A_179 = tpu.memref_slice %arg4[%dma_start3A_178] : memref<13824xf32, #tpu.memory_space<vmem>> -> memref<512xf32, #tpu.memory_space<vmem>>
    %dma_start3A_180 = tpu.memref_slice %arg2[%dma_start3A_173, %mul3A_2] : memref<63x16384xf32, #tpu.memory_space<hbm>> -> memref<1x512xf32, #tpu.memory_space<hbm>>
    %dma_start3A_181 = tpu.memref_squeeze %dma_start3A_180 : memref<1x512xf32, #tpu.memory_space<hbm>> -> memref<512xf32, #tpu.memory_space<hbm>>
    tpu.enqueue_dma source(%dma_start3A_181 : memref<512xf32, #tpu.memory_space<hbm>>) target(%dma_start3A_179 : memref<512xf32, #tpu.memory_space<vmem>>) target_semaphore(%arg6 : memref<!tpu.dma_semaphore, #tpu.memory_space<semaphore_mem>>)
    %dma_start3A_182 = arith.constant 31 : i32
    %dma_start3A_183 = arith.constant 10240 : i32
    %dma_start3A_184 = tpu.memref_slice %arg4[%dma_start3A_183] : memref<13824xf32, #tpu.memory_space<vmem>> -> memref<512xf32, #tpu.memory_space<vmem>>
    %dma_start3A_185 = tpu.memref_slice %arg2[%dma_start3A_182, %mul3A_2] : memref<63x16384xf32, #tpu.memory_space<hbm>> -> memref<1x512xf32, #tpu.memory_space<hbm>>
    %dma_start3A_186 = tpu.memref_squeeze %dma_start3A_185 : memref<1x512xf32, #tpu.memory_space<hbm>> -> memref<512xf32, #tpu.memory_space<hbm>>
    %dma_start3A_187 = arith.constant 10240 : i32
    %dma_start3A_188 = tpu.memref_slice %arg4[%dma_start3A_187] : memref<13824xf32, #tpu.memory_space<vmem>> -> memref<512xf32, #tpu.memory_space<vmem>>
    %dma_start3A_189 = tpu.memref_slice %arg2[%dma_start3A_182, %mul3A_2] : memref<63x16384xf32, #tpu.memory_space<hbm>> -> memref<1x512xf32, #tpu.memory_space<hbm>>
    %dma_start3A_190 = tpu.memref_squeeze %dma_start3A_189 : memref<1x512xf32, #tpu.memory_space<hbm>> -> memref<512xf32, #tpu.memory_space<hbm>>
    tpu.enqueue_dma source(%dma_start3A_190 : memref<512xf32, #tpu.memory_space<hbm>>) target(%dma_start3A_188 : memref<512xf32, #tpu.memory_space<vmem>>) target_semaphore(%arg6 : memref<!tpu.dma_semaphore, #tpu.memory_space<semaphore_mem>>)
    %dma_start3A_191 = arith.constant 32 : i32
    %dma_start3A_192 = arith.constant 10752 : i32
    %dma_start3A_193 = tpu.memref_slice %arg4[%dma_start3A_192] : memref<13824xf32, #tpu.memory_space<vmem>> -> memref<512xf32, #tpu.memory_space<vmem>>
    %dma_start3A_194 = tpu.memref_slice %arg2[%dma_start3A_191, %mul3A_2] : memref<63x16384xf32, #tpu.memory_space<hbm>> -> memref<1x512xf32, #tpu.memory_space<hbm>>
    %dma_start3A_195 = tpu.memref_squeeze %dma_start3A_194 : memref<1x512xf32, #tpu.memory_space<hbm>> -> memref<512xf32, #tpu.memory_space<hbm>>
    %dma_start3A_196 = arith.constant 10752 : i32
    %dma_start3A_197 = tpu.memref_slice %arg4[%dma_start3A_196] : memref<13824xf32, #tpu.memory_space<vmem>> -> memref<512xf32, #tpu.memory_space<vmem>>
    %dma_start3A_198 = tpu.memref_slice %arg2[%dma_start3A_191, %mul3A_2] : memref<63x16384xf32, #tpu.memory_space<hbm>> -> memref<1x512xf32, #tpu.memory_space<hbm>>
    %dma_start3A_199 = tpu.memref_squeeze %dma_start3A_198 : memref<1x512xf32, #tpu.memory_space<hbm>> -> memref<512xf32, #tpu.memory_space<hbm>>
    tpu.enqueue_dma source(%dma_start3A_199 : memref<512xf32, #tpu.memory_space<hbm>>) target(%dma_start3A_197 : memref<512xf32, #tpu.memory_space<vmem>>) target_semaphore(%arg6 : memref<!tpu.dma_semaphore, #tpu.memory_space<semaphore_mem>>)
    %dma_start3A_200 = arith.constant 42 : i32
    %dma_start3A_201 = arith.constant 11264 : i32
    %dma_start3A_202 = tpu.memref_slice %arg4[%dma_start3A_201] : memref<13824xf32, #tpu.memory_space<vmem>> -> memref<512xf32, #tpu.memory_space<vmem>>
    %dma_start3A_203 = tpu.memref_slice %arg2[%dma_start3A_200, %mul3A_2] : memref<63x16384xf32, #tpu.memory_space<hbm>> -> memref<1x512xf32, #tpu.memory_space<hbm>>
    %dma_start3A_204 = tpu.memref_squeeze %dma_start3A_203 : memref<1x512xf32, #tpu.memory_space<hbm>> -> memref<512xf32, #tpu.memory_space<hbm>>
    %dma_start3A_205 = arith.constant 11264 : i32
    %dma_start3A_206 = tpu.memref_slice %arg4[%dma_start3A_205] : memref<13824xf32, #tpu.memory_space<vmem>> -> memref<512xf32, #tpu.memory_space<vmem>>
    %dma_start3A_207 = tpu.memref_slice %arg2[%dma_start3A_200, %mul3A_2] : memref<63x16384xf32, #tpu.memory_space<hbm>> -> memref<1x512xf32, #tpu.memory_space<hbm>>
    %dma_start3A_208 = tpu.memref_squeeze %dma_start3A_207 : memref<1x512xf32, #tpu.memory_space<hbm>> -> memref<512xf32, #tpu.memory_space<hbm>>
    tpu.enqueue_dma source(%dma_start3A_208 : memref<512xf32, #tpu.memory_space<hbm>>) target(%dma_start3A_206 : memref<512xf32, #tpu.memory_space<vmem>>) target_semaphore(%arg6 : memref<!tpu.dma_semaphore, #tpu.memory_space<semaphore_mem>>)
    %dma_start3A_209 = arith.constant 43 : i32
    %dma_start3A_210 = arith.constant 11776 : i32
    %dma_start3A_211 = tpu.memref_slice %arg4[%dma_start3A_210] : memref<13824xf32, #tpu.memory_space<vmem>> -> memref<512xf32, #tpu.memory_space<vmem>>
    %dma_start3A_212 = tpu.memref_slice %arg2[%dma_start3A_209, %mul3A_2] : memref<63x16384xf32, #tpu.memory_space<hbm>> -> memref<1x512xf32, #tpu.memory_space<hbm>>
    %dma_start3A_213 = tpu.memref_squeeze %dma_start3A_212 : memref<1x512xf32, #tpu.memory_space<hbm>> -> memref<512xf32, #tpu.memory_space<hbm>>
    %dma_start3A_214 = arith.constant 11776 : i32
    %dma_start3A_215 = tpu.memref_slice %arg4[%dma_start3A_214] : memref<13824xf32, #tpu.memory_space<vmem>> -> memref<512xf32, #tpu.memory_space<vmem>>
    %dma_start3A_216 = tpu.memref_slice %arg2[%dma_start3A_209, %mul3A_2] : memref<63x16384xf32, #tpu.memory_space<hbm>> -> memref<1x512xf32, #tpu.memory_space<hbm>>
    %dma_start3A_217 = tpu.memref_squeeze %dma_start3A_216 : memref<1x512xf32, #tpu.memory_space<hbm>> -> memref<512xf32, #tpu.memory_space<hbm>>
    tpu.enqueue_dma source(%dma_start3A_217 : memref<512xf32, #tpu.memory_space<hbm>>) target(%dma_start3A_215 : memref<512xf32, #tpu.memory_space<vmem>>) target_semaphore(%arg6 : memref<!tpu.dma_semaphore, #tpu.memory_space<semaphore_mem>>)
    %dma_start3A_218 = arith.constant 44 : i32
    %dma_start3A_219 = arith.constant 12288 : i32
    %dma_start3A_220 = tpu.memref_slice %arg4[%dma_start3A_219] : memref<13824xf32, #tpu.memory_space<vmem>> -> memref<512xf32, #tpu.memory_space<vmem>>
    %dma_start3A_221 = tpu.memref_slice %arg2[%dma_start3A_218, %mul3A_2] : memref<63x16384xf32, #tpu.memory_space<hbm>> -> memref<1x512xf32, #tpu.memory_space<hbm>>
    %dma_start3A_222 = tpu.memref_squeeze %dma_start3A_221 : memref<1x512xf32, #tpu.memory_space<hbm>> -> memref<512xf32, #tpu.memory_space<hbm>>
    %dma_start3A_223 = arith.constant 12288 : i32
    %dma_start3A_224 = tpu.memref_slice %arg4[%dma_start3A_223] : memref<13824xf32, #tpu.memory_space<vmem>> -> memref<512xf32, #tpu.memory_space<vmem>>
    %dma_start3A_225 = tpu.memref_slice %arg2[%dma_start3A_218, %mul3A_2] : memref<63x16384xf32, #tpu.memory_space<hbm>> -> memref<1x512xf32, #tpu.memory_space<hbm>>
    %dma_start3A_226 = tpu.memref_squeeze %dma_start3A_225 : memref<1x512xf32, #tpu.memory_space<hbm>> -> memref<512xf32, #tpu.memory_space<hbm>>
    tpu.enqueue_dma source(%dma_start3A_226 : memref<512xf32, #tpu.memory_space<hbm>>) target(%dma_start3A_224 : memref<512xf32, #tpu.memory_space<vmem>>) target_semaphore(%arg6 : memref<!tpu.dma_semaphore, #tpu.memory_space<semaphore_mem>>)
    %dma_start3A_227 = arith.constant 58 : i32
    %dma_start3A_228 = arith.constant 12800 : i32
    %dma_start3A_229 = tpu.memref_slice %arg4[%dma_start3A_228] : memref<13824xf32, #tpu.memory_space<vmem>> -> memref<512xf32, #tpu.memory_space<vmem>>
    %dma_start3A_230 = tpu.memref_slice %arg2[%dma_start3A_227, %mul3A_2] : memref<63x16384xf32, #tpu.memory_space<hbm>> -> memref<1x512xf32, #tpu.memory_space<hbm>>
    %dma_start3A_231 = tpu.memref_squeeze %dma_start3A_230 : memref<1x512xf32, #tpu.memory_space<hbm>> -> memref<512xf32, #tpu.memory_space<hbm>>
    %dma_start3A_232 = arith.constant 12800 : i32
    %dma_start3A_233 = tpu.memref_slice %arg4[%dma_start3A_232] : memref<13824xf32, #tpu.memory_space<vmem>> -> memref<512xf32, #tpu.memory_space<vmem>>
    %dma_start3A_234 = tpu.memref_slice %arg2[%dma_start3A_227, %mul3A_2] : memref<63x16384xf32, #tpu.memory_space<hbm>> -> memref<1x512xf32, #tpu.memory_space<hbm>>
    %dma_start3A_235 = tpu.memref_squeeze %dma_start3A_234 : memref<1x512xf32, #tpu.memory_space<hbm>> -> memref<512xf32, #tpu.memory_space<hbm>>
    tpu.enqueue_dma source(%dma_start3A_235 : memref<512xf32, #tpu.memory_space<hbm>>) target(%dma_start3A_233 : memref<512xf32, #tpu.memory_space<vmem>>) target_semaphore(%arg6 : memref<!tpu.dma_semaphore, #tpu.memory_space<semaphore_mem>>)
    %dma_start3A_236 = arith.constant 61 : i32
    %dma_start3A_237 = arith.constant 13312 : i32
    %dma_start3A_238 = tpu.memref_slice %arg4[%dma_start3A_237] : memref<13824xf32, #tpu.memory_space<vmem>> -> memref<512xf32, #tpu.memory_space<vmem>>
    %dma_start3A_239 = tpu.memref_slice %arg2[%dma_start3A_236, %mul3A_2] : memref<63x16384xf32, #tpu.memory_space<hbm>> -> memref<1x512xf32, #tpu.memory_space<hbm>>
    %dma_start3A_240 = tpu.memref_squeeze %dma_start3A_239 : memref<1x512xf32, #tpu.memory_space<hbm>> -> memref<512xf32, #tpu.memory_space<hbm>>
    %dma_start3A_241 = arith.constant 13312 : i32
    %dma_start3A_242 = tpu.memref_slice %arg4[%dma_start3A_241] : memref<13824xf32, #tpu.memory_space<vmem>> -> memref<512xf32, #tpu.memory_space<vmem>>
    %dma_start3A_243 = tpu.memref_slice %arg2[%dma_start3A_236, %mul3A_2] : memref<63x16384xf32, #tpu.memory_space<hbm>> -> memref<1x512xf32, #tpu.memory_space<hbm>>
    %dma_start3A_244 = tpu.memref_squeeze %dma_start3A_243 : memref<1x512xf32, #tpu.memory_space<hbm>> -> memref<512xf32, #tpu.memory_space<hbm>>
    tpu.enqueue_dma source(%dma_start3A_244 : memref<512xf32, #tpu.memory_space<hbm>>) target(%dma_start3A_242 : memref<512xf32, #tpu.memory_space<vmem>>) target_semaphore(%arg6 : memref<!tpu.dma_semaphore, #tpu.memory_space<semaphore_mem>>)
    %broadcast_in_dim3A = arith.constant 0.000000e+00 : f32
    %broadcast_in_dim3A_245 = vector.broadcast %broadcast_in_dim3A : f32 to vector<16xf32>
    %dma_wait3A = arith.constant 0 : i32
    %dma_wait3A_246 = arith.constant 0 : i32
    %dma_wait3A_247 = tpu.memref_slice %arg4[%dma_wait3A_246] : memref<13824xf32, #tpu.memory_space<vmem>> -> memref<512xf32, #tpu.memory_space<vmem>>
    %dma_wait3A_248 = tpu.memref_slice %arg2[%dma_wait3A, %mul3A_2] : memref<63x16384xf32, #tpu.memory_space<hbm>> -> memref<1x512xf32, #tpu.memory_space<hbm>>
    %dma_wait3A_249 = tpu.memref_squeeze %dma_wait3A_248 : memref<1x512xf32, #tpu.memory_space<hbm>> -> memref<512xf32, #tpu.memory_space<hbm>>
    %dma_wait3A_250 = arith.constant 0 : i32
    %dma_wait3A_251 = tpu.memref_slice %arg4[%dma_wait3A_250] : memref<13824xf32, #tpu.memory_space<vmem>> -> memref<512xf32, #tpu.memory_space<vmem>>
    %dma_wait3A_252 = tpu.memref_slice %arg2[%dma_wait3A, %mul3A_2] : memref<63x16384xf32, #tpu.memory_space<hbm>> -> memref<1x512xf32, #tpu.memory_space<hbm>>
    %dma_wait3A_253 = tpu.memref_squeeze %dma_wait3A_252 : memref<1x512xf32, #tpu.memory_space<hbm>> -> memref<512xf32, #tpu.memory_space<hbm>>
    tpu.wait_dma2 semaphore(%arg6 : memref<!tpu.dma_semaphore, #tpu.memory_space<semaphore_mem>>) src(%dma_wait3A_253 : memref<512xf32, #tpu.memory_space<hbm>>) dst(%dma_wait3A_251 : memref<512xf32, #tpu.memory_space<vmem>>)
    %dma_wait3A_254 = arith.constant 3 : i32
    %dma_wait3A_255 = arith.constant 512 : i32
    %dma_wait3A_256 = tpu.memref_slice %arg4[%dma_wait3A_255] : memref<13824xf32, #tpu.memory_space<vmem>> -> memref<512xf32, #tpu.memory_space<vmem>>
    %dma_wait3A_257 = tpu.memref_slice %arg2[%dma_wait3A_254, %mul3A_2] : memref<63x16384xf32, #tpu.memory_space<hbm>> -> memref<1x512xf32, #tpu.memory_space<hbm>>
    %dma_wait3A_258 = tpu.memref_squeeze %dma_wait3A_257 : memref<1x512xf32, #tpu.memory_space<hbm>> -> memref<512xf32, #tpu.memory_space<hbm>>
    %dma_wait3A_259 = arith.constant 512 : i32
    %dma_wait3A_260 = tpu.memref_slice %arg4[%dma_wait3A_259] : memref<13824xf32, #tpu.memory_space<vmem>> -> memref<512xf32, #tpu.memory_space<vmem>>
    %dma_wait3A_261 = tpu.memref_slice %arg2[%dma_wait3A_254, %mul3A_2] : memref<63x16384xf32, #tpu.memory_space<hbm>> -> memref<1x512xf32, #tpu.memory_space<hbm>>
    %dma_wait3A_262 = tpu.memref_squeeze %dma_wait3A_261 : memref<1x512xf32, #tpu.memory_space<hbm>> -> memref<512xf32, #tpu.memory_space<hbm>>
    tpu.wait_dma2 semaphore(%arg6 : memref<!tpu.dma_semaphore, #tpu.memory_space<semaphore_mem>>) src(%dma_wait3A_262 : memref<512xf32, #tpu.memory_space<hbm>>) dst(%dma_wait3A_260 : memref<512xf32, #tpu.memory_space<vmem>>)
    %dma_wait3A_263 = arith.constant 37 : i32
    %dma_wait3A_264 = arith.constant 1024 : i32
    %dma_wait3A_265 = tpu.memref_slice %arg4[%dma_wait3A_264] : memref<13824xf32, #tpu.memory_space<vmem>> -> memref<512xf32, #tpu.memory_space<vmem>>
    %dma_wait3A_266 = tpu.memref_slice %arg2[%dma_wait3A_263, %mul3A_2] : memref<63x16384xf32, #tpu.memory_space<hbm>> -> memref<1x512xf32, #tpu.memory_space<hbm>>
    %dma_wait3A_267 = tpu.memref_squeeze %dma_wait3A_266 : memref<1x512xf32, #tpu.memory_space<hbm>> -> memref<512xf32, #tpu.memory_space<hbm>>
    %dma_wait3A_268 = arith.constant 1024 : i32
    %dma_wait3A_269 = tpu.memref_slice %arg4[%dma_wait3A_268] : memref<13824xf32, #tpu.memory_space<vmem>> -> memref<512xf32, #tpu.memory_space<vmem>>
    %dma_wait3A_270 = tpu.memref_slice %arg2[%dma_wait3A_263, %mul3A_2] : memref<63x16384xf32, #tpu.memory_space<hbm>> -> memref<1x512xf32, #tpu.memory_space<hbm>>
    %dma_wait3A_271 = tpu.memref_squeeze %dma_wait3A_270 : memref<1x512xf32, #tpu.memory_space<hbm>> -> memref<512xf32, #tpu.memory_space<hbm>>
    tpu.wait_dma2 semaphore(%arg6 : memref<!tpu.dma_semaphore, #tpu.memory_space<semaphore_mem>>) src(%dma_wait3A_271 : memref<512xf32, #tpu.memory_space<hbm>>) dst(%dma_wait3A_269 : memref<512xf32, #tpu.memory_space<vmem>>)
    %dma_wait3A_272 = arith.constant 46 : i32
    %dma_wait3A_273 = arith.constant 1536 : i32
    %dma_wait3A_274 = tpu.memref_slice %arg4[%dma_wait3A_273] : memref<13824xf32, #tpu.memory_space<vmem>> -> memref<512xf32, #tpu.memory_space<vmem>>
    %dma_wait3A_275 = tpu.memref_slice %arg2[%dma_wait3A_272, %mul3A_2] : memref<63x16384xf32, #tpu.memory_space<hbm>> -> memref<1x512xf32, #tpu.memory_space<hbm>>
    %dma_wait3A_276 = tpu.memref_squeeze %dma_wait3A_275 : memref<1x512xf32, #tpu.memory_space<hbm>> -> memref<512xf32, #tpu.memory_space<hbm>>
    %dma_wait3A_277 = arith.constant 1536 : i32
    %dma_wait3A_278 = tpu.memref_slice %arg4[%dma_wait3A_277] : memref<13824xf32, #tpu.memory_space<vmem>> -> memref<512xf32, #tpu.memory_space<vmem>>
    %dma_wait3A_279 = tpu.memref_slice %arg2[%dma_wait3A_272, %mul3A_2] : memref<63x16384xf32, #tpu.memory_space<hbm>> -> memref<1x512xf32, #tpu.memory_space<hbm>>
    %dma_wait3A_280 = tpu.memref_squeeze %dma_wait3A_279 : memref<1x512xf32, #tpu.memory_space<hbm>> -> memref<512xf32, #tpu.memory_space<hbm>>
    tpu.wait_dma2 semaphore(%arg6 : memref<!tpu.dma_semaphore, #tpu.memory_space<semaphore_mem>>) src(%dma_wait3A_280 : memref<512xf32, #tpu.memory_space<hbm>>) dst(%dma_wait3A_278 : memref<512xf32, #tpu.memory_space<vmem>>)
    %dma_wait3A_281 = arith.constant 52 : i32
    %dma_wait3A_282 = arith.constant 2048 : i32
    %dma_wait3A_283 = tpu.memref_slice %arg4[%dma_wait3A_282] : memref<13824xf32, #tpu.memory_space<vmem>> -> memref<512xf32, #tpu.memory_space<vmem>>
    %dma_wait3A_284 = tpu.memref_slice %arg2[%dma_wait3A_281, %mul3A_2] : memref<63x16384xf32, #tpu.memory_space<hbm>> -> memref<1x512xf32, #tpu.memory_space<hbm>>
    %dma_wait3A_285 = tpu.memref_squeeze %dma_wait3A_284 : memref<1x512xf32, #tpu.memory_space<hbm>> -> memref<512xf32, #tpu.memory_space<hbm>>
    %dma_wait3A_286 = arith.constant 2048 : i32
    %dma_wait3A_287 = tpu.memref_slice %arg4[%dma_wait3A_286] : memref<13824xf32, #tpu.memory_space<vmem>> -> memref<512xf32, #tpu.memory_space<vmem>>
    %dma_wait3A_288 = tpu.memref_slice %arg2[%dma_wait3A_281, %mul3A_2] : memref<63x16384xf32, #tpu.memory_space<hbm>> -> memref<1x512xf32, #tpu.memory_space<hbm>>
    %dma_wait3A_289 = tpu.memref_squeeze %dma_wait3A_288 : memref<1x512xf32, #tpu.memory_space<hbm>> -> memref<512xf32, #tpu.memory_space<hbm>>
    tpu.wait_dma2 semaphore(%arg6 : memref<!tpu.dma_semaphore, #tpu.memory_space<semaphore_mem>>) src(%dma_wait3A_289 : memref<512xf32, #tpu.memory_space<hbm>>) dst(%dma_wait3A_287 : memref<512xf32, #tpu.memory_space<vmem>>)
    %dma_wait3A_290 = arith.constant 6 : i32
    %dma_wait3A_291 = arith.constant 2560 : i32
    %dma_wait3A_292 = tpu.memref_slice %arg4[%dma_wait3A_291] : memref<13824xf32, #tpu.memory_space<vmem>> -> memref<512xf32, #tpu.memory_space<vmem>>
    %dma_wait3A_293 = tpu.memref_slice %arg2[%dma_wait3A_290, %mul3A_2] : memref<63x16384xf32, #tpu.memory_space<hbm>> -> memref<1x512xf32, #tpu.memory_space<hbm>>
    %dma_wait3A_294 = tpu.memref_squeeze %dma_wait3A_293 : memref<1x512xf32, #tpu.memory_space<hbm>> -> memref<512xf32, #tpu.memory_space<hbm>>
    %dma_wait3A_295 = arith.constant 2560 : i32
    %dma_wait3A_296 = tpu.memref_slice %arg4[%dma_wait3A_295] : memref<13824xf32, #tpu.memory_space<vmem>> -> memref<512xf32, #tpu.memory_space<vmem>>
    %dma_wait3A_297 = tpu.memref_slice %arg2[%dma_wait3A_290, %mul3A_2] : memref<63x16384xf32, #tpu.memory_space<hbm>> -> memref<1x512xf32, #tpu.memory_space<hbm>>
    %dma_wait3A_298 = tpu.memref_squeeze %dma_wait3A_297 : memref<1x512xf32, #tpu.memory_space<hbm>> -> memref<512xf32, #tpu.memory_space<hbm>>
    tpu.wait_dma2 semaphore(%arg6 : memref<!tpu.dma_semaphore, #tpu.memory_space<semaphore_mem>>) src(%dma_wait3A_298 : memref<512xf32, #tpu.memory_space<hbm>>) dst(%dma_wait3A_296 : memref<512xf32, #tpu.memory_space<vmem>>)
    %dma_wait3A_299 = arith.constant 9 : i32
    %dma_wait3A_300 = arith.constant 3072 : i32
    %dma_wait3A_301 = tpu.memref_slice %arg4[%dma_wait3A_300] : memref<13824xf32, #tpu.memory_space<vmem>> -> memref<512xf32, #tpu.memory_space<vmem>>
    %dma_wait3A_302 = tpu.memref_slice %arg2[%dma_wait3A_299, %mul3A_2] : memref<63x16384xf32, #tpu.memory_space<hbm>> -> memref<1x512xf32, #tpu.memory_space<hbm>>
    %dma_wait3A_303 = tpu.memref_squeeze %dma_wait3A_302 : memref<1x512xf32, #tpu.memory_space<hbm>> -> memref<512xf32, #tpu.memory_space<hbm>>
    %dma_wait3A_304 = arith.constant 3072 : i32
    %dma_wait3A_305 = tpu.memref_slice %arg4[%dma_wait3A_304] : memref<13824xf32, #tpu.memory_space<vmem>> -> memref<512xf32, #tpu.memory_space<vmem>>
    %dma_wait3A_306 = tpu.memref_slice %arg2[%dma_wait3A_299, %mul3A_2] : memref<63x16384xf32, #tpu.memory_space<hbm>> -> memref<1x512xf32, #tpu.memory_space<hbm>>
    %dma_wait3A_307 = tpu.memref_squeeze %dma_wait3A_306 : memref<1x512xf32, #tpu.memory_space<hbm>> -> memref<512xf32, #tpu.memory_space<hbm>>
    tpu.wait_dma2 semaphore(%arg6 : memref<!tpu.dma_semaphore, #tpu.memory_space<semaphore_mem>>) src(%dma_wait3A_307 : memref<512xf32, #tpu.memory_space<hbm>>) dst(%dma_wait3A_305 : memref<512xf32, #tpu.memory_space<vmem>>)
    %dma_wait3A_308 = arith.constant 12 : i32
    %dma_wait3A_309 = arith.constant 3584 : i32
    %dma_wait3A_310 = tpu.memref_slice %arg4[%dma_wait3A_309] : memref<13824xf32, #tpu.memory_space<vmem>> -> memref<512xf32, #tpu.memory_space<vmem>>
    %dma_wait3A_311 = tpu.memref_slice %arg2[%dma_wait3A_308, %mul3A_2] : memref<63x16384xf32, #tpu.memory_space<hbm>> -> memref<1x512xf32, #tpu.memory_space<hbm>>
    %dma_wait3A_312 = tpu.memref_squeeze %dma_wait3A_311 : memref<1x512xf32, #tpu.memory_space<hbm>> -> memref<512xf32, #tpu.memory_space<hbm>>
    %dma_wait3A_313 = arith.constant 3584 : i32
    %dma_wait3A_314 = tpu.memref_slice %arg4[%dma_wait3A_313] : memref<13824xf32, #tpu.memory_space<vmem>> -> memref<512xf32, #tpu.memory_space<vmem>>
    %dma_wait3A_315 = tpu.memref_slice %arg2[%dma_wait3A_308, %mul3A_2] : memref<63x16384xf32, #tpu.memory_space<hbm>> -> memref<1x512xf32, #tpu.memory_space<hbm>>
    %dma_wait3A_316 = tpu.memref_squeeze %dma_wait3A_315 : memref<1x512xf32, #tpu.memory_space<hbm>> -> memref<512xf32, #tpu.memory_space<hbm>>
    tpu.wait_dma2 semaphore(%arg6 : memref<!tpu.dma_semaphore, #tpu.memory_space<semaphore_mem>>) src(%dma_wait3A_316 : memref<512xf32, #tpu.memory_space<hbm>>) dst(%dma_wait3A_314 : memref<512xf32, #tpu.memory_space<vmem>>)
    %dma_wait3A_317 = arith.constant 15 : i32
    %dma_wait3A_318 = arith.constant 4096 : i32
    %dma_wait3A_319 = tpu.memref_slice %arg4[%dma_wait3A_318] : memref<13824xf32, #tpu.memory_space<vmem>> -> memref<512xf32, #tpu.memory_space<vmem>>
    %dma_wait3A_320 = tpu.memref_slice %arg2[%dma_wait3A_317, %mul3A_2] : memref<63x16384xf32, #tpu.memory_space<hbm>> -> memref<1x512xf32, #tpu.memory_space<hbm>>
    %dma_wait3A_321 = tpu.memref_squeeze %dma_wait3A_320 : memref<1x512xf32, #tpu.memory_space<hbm>> -> memref<512xf32, #tpu.memory_space<hbm>>
    %dma_wait3A_322 = arith.constant 4096 : i32
    %dma_wait3A_323 = tpu.memref_slice %arg4[%dma_wait3A_322] : memref<13824xf32, #tpu.memory_space<vmem>> -> memref<512xf32, #tpu.memory_space<vmem>>
    %dma_wait3A_324 = tpu.memref_slice %arg2[%dma_wait3A_317, %mul3A_2] : memref<63x16384xf32, #tpu.memory_space<hbm>> -> memref<1x512xf32, #tpu.memory_space<hbm>>
    %dma_wait3A_325 = tpu.memref_squeeze %dma_wait3A_324 : memref<1x512xf32, #tpu.memory_space<hbm>> -> memref<512xf32, #tpu.memory_space<hbm>>
    tpu.wait_dma2 semaphore(%arg6 : memref<!tpu.dma_semaphore, #tpu.memory_space<semaphore_mem>>) src(%dma_wait3A_325 : memref<512xf32, #tpu.memory_space<hbm>>) dst(%dma_wait3A_323 : memref<512xf32, #tpu.memory_space<vmem>>)
    %scan3A = arith.constant 0 : i32
    %scan3A_326 = arith.constant 32 : i32
    %scan3A_327 = arith.addi %scan3A, %scan3A_326 : i32
    %scan3A_328 = arith.constant 1 : i32
    %scan3A_329:6 = scf.for %scan3A_517 = %scan3A to %scan3A_327 step %scan3A_328 iter_args(%scan3A_518 = %broadcast_in_dim3A_245, %scan3A_519 = %broadcast_in_dim3A_245, %scan3A_520 = %broadcast_in_dim3A_245, %scan3A_521 = %broadcast_in_dim3A_245, %scan3A_522 = %broadcast_in_dim3A_245, %scan3A_523 = %broadcast_in_dim3A_245) -> (vector<16xf32>, vector<16xf32>, vector<16xf32>, vector<16xf32>, vector<16xf32>, vector<16xf32>)  : i32 {
      %mul3A_524 = arith.constant 16 : i32
      %mul3A_525 = arith.muli %scan3A_517, %mul3A_524 : i32
      %add3A_526 = arith.constant 0 : i32
      %add3A_527 = arith.addi %add3A_526, %mul3A_525 : i32
      %get3A = arith.index_cast %add3A_527 : i32 to index
      %get3A_528 = tpu.vector_load %arg4[%get3A] {strides = array<i32>} : memref<13824xf32, #tpu.memory_space<vmem>>, vector<16xf32>,
      %get3A_529 = vector.shape_cast %get3A_528 : vector<16xf32> to vector<16xf32>
      %max3A = arith.constant 0.000000e+00 : f32
      %max3A_530 = vector.broadcast %max3A : f32 to vector<16xf32>
      %max3A_531 = arith.maximumf %get3A_529, %max3A_530 : vector<16xf32>
      %add3A_532 = arith.constant 512 : i32
      %add3A_533 = arith.addi %add3A_532, %mul3A_525 : i32
      %get3A_534 = arith.index_cast %add3A_533 : i32 to index
      %get3A_535 = tpu.vector_load %arg4[%get3A_534] {strides = array<i32>} : memref<13824xf32, #tpu.memory_space<vmem>>, vector<16xf32>,
      %get3A_536 = vector.shape_cast %get3A_535 : vector<16xf32> to vector<16xf32>
      %max3A_537 = arith.constant 0.000000e+00 : f32
      %max3A_538 = vector.broadcast %max3A_537 : f32 to vector<16xf32>
      %max3A_539 = arith.maximumf %get3A_536, %max3A_538 : vector<16xf32>
      %add3A_540 = arith.constant 1024 : i32
      %add3A_541 = arith.addi %add3A_540, %mul3A_525 : i32
      %get3A_542 = arith.index_cast %add3A_541 : i32 to index
      %get3A_543 = tpu.vector_load %arg4[%get3A_542] {strides = array<i32>} : memref<13824xf32, #tpu.memory_space<vmem>>, vector<16xf32>,
      %get3A_544 = vector.shape_cast %get3A_543 : vector<16xf32> to vector<16xf32>
      %max3A_545 = arith.constant 0.000000e+00 : f32
      %max3A_546 = vector.broadcast %max3A_545 : f32 to vector<16xf32>
      %max3A_547 = arith.maximumf %get3A_544, %max3A_546 : vector<16xf32>
      %add3A_548 = arith.constant 1536 : i32
      %add3A_549 = arith.addi %add3A_548, %mul3A_525 : i32
      %get3A_550 = arith.index_cast %add3A_549 : i32 to index
      %get3A_551 = tpu.vector_load %arg4[%get3A_550] {strides = array<i32>} : memref<13824xf32, #tpu.memory_space<vmem>>, vector<16xf32>,
      %get3A_552 = vector.shape_cast %get3A_551 : vector<16xf32> to vector<16xf32>
      %max3A_553 = arith.constant 0.000000e+00 : f32
      %max3A_554 = vector.broadcast %max3A_553 : f32 to vector<16xf32>
      %max3A_555 = arith.maximumf %get3A_552, %max3A_554 : vector<16xf32>
      %add3A_556 = arith.constant 2048 : i32
      %add3A_557 = arith.addi %add3A_556, %mul3A_525 : i32
      %get3A_558 = arith.index_cast %add3A_557 : i32 to index
      %get3A_559 = tpu.vector_load %arg4[%get3A_558] {strides = array<i32>} : memref<13824xf32, #tpu.memory_space<vmem>>, vector<16xf32>,
      %get3A_560 = vector.shape_cast %get3A_559 : vector<16xf32> to vector<16xf32>
      %max3A_561 = arith.constant 0.000000e+00 : f32
      %max3A_562 = vector.broadcast %max3A_561 : f32 to vector<16xf32>
      %max3A_563 = arith.maximumf %get3A_560, %max3A_562 : vector<16xf32>
      %add3A_564 = arith.constant 2560 : i32
      %add3A_565 = arith.addi %add3A_564, %mul3A_525 : i32
      %get3A_566 = arith.index_cast %add3A_565 : i32 to index
      %get3A_567 = tpu.vector_load %arg4[%get3A_566] {strides = array<i32>} : memref<13824xf32, #tpu.memory_space<vmem>>, vector<16xf32>,
      %get3A_568 = vector.shape_cast %get3A_567 : vector<16xf32> to vector<16xf32>
      %min3A = arith.constant 0.000000e+00 : f32
      %min3A_569 = vector.broadcast %min3A : f32 to vector<16xf32>
      %min3A_570 = arith.minimumf %get3A_568, %min3A_569 : vector<16xf32>
      %add3A_571 = arith.constant 3072 : i32
      %add3A_572 = arith.addi %add3A_571, %mul3A_525 : i32
      %get3A_573 = arith.index_cast %add3A_572 : i32 to index
      %get3A_574 = tpu.vector_load %arg4[%get3A_573] {strides = array<i32>} : memref<13824xf32, #tpu.memory_space<vmem>>, vector<16xf32>,
      %get3A_575 = vector.shape_cast %get3A_574 : vector<16xf32> to vector<16xf32>
      %min3A_576 = arith.constant 0.000000e+00 : f32
      %min3A_577 = vector.broadcast %min3A_576 : f32 to vector<16xf32>
      %min3A_578 = arith.minimumf %get3A_575, %min3A_577 : vector<16xf32>
      %add3A_579 = arith.constant 3584 : i32
      %add3A_580 = arith.addi %add3A_579, %mul3A_525 : i32
      %get3A_581 = arith.index_cast %add3A_580 : i32 to index
      %get3A_582 = tpu.vector_load %arg4[%get3A_581] {strides = array<i32>} : memref<13824xf32, #tpu.memory_space<vmem>>, vector<16xf32>,
      %get3A_583 = vector.shape_cast %get3A_582 : vector<16xf32> to vector<16xf32>
      %min3A_584 = arith.constant 0.000000e+00 : f32
      %min3A_585 = vector.broadcast %min3A_584 : f32 to vector<16xf32>
      %min3A_586 = arith.minimumf %get3A_583, %min3A_585 : vector<16xf32>
      %add3A_587 = arith.constant 4096 : i32
      %add3A_588 = arith.addi %add3A_587, %mul3A_525 : i32
      %get3A_589 = arith.index_cast %add3A_588 : i32 to index
      %get3A_590 = tpu.vector_load %arg4[%get3A_589] {strides = array<i32>} : memref<13824xf32, #tpu.memory_space<vmem>>, vector<16xf32>,
      %get3A_591 = vector.shape_cast %get3A_590 : vector<16xf32> to vector<16xf32>
      %min3A_592 = arith.constant 0.000000e+00 : f32
      %min3A_593 = vector.broadcast %min3A_592 : f32 to vector<16xf32>
      %min3A_594 = arith.minimumf %get3A_591, %min3A_593 : vector<16xf32>
      %add3A_595 = arith.addf %broadcast_in_dim3A_245, %max3A_531 : vector<16xf32>
      %add3A_596 = arith.addf %add3A_595, %max3A_547 : vector<16xf32>
      %add3A_597 = arith.addf %add3A_596, %max3A_563 : vector<16xf32>
      %add3A_598 = arith.addf %scan3A_518, %add3A_597 : vector<16xf32>
      %add3A_599 = arith.addf %broadcast_in_dim3A_245, %max3A_539 : vector<16xf32>
      %add3A_600 = arith.addf %add3A_599, %max3A_555 : vector<16xf32>
      %add3A_601 = arith.addf %scan3A_519, %add3A_600 : vector<16xf32>
      %add3A_602 = arith.addf %broadcast_in_dim3A_245, %min3A_570 : vector<16xf32>
      %add3A_603 = arith.addf %add3A_602, %min3A_586 : vector<16xf32>
      %add3A_604 = arith.addf %scan3A_520, %add3A_603 : vector<16xf32>
      %add3A_605 = arith.addf %broadcast_in_dim3A_245, %min3A_578 : vector<16xf32>
      %add3A_606 = arith.addf %add3A_605, %min3A_594 : vector<16xf32>
      %add3A_607 = arith.addf %scan3A_521, %add3A_606 : vector<16xf32>
      %add3A_608 = arith.addf %scan3A_522, %broadcast_in_dim3A_245 : vector<16xf32>
      %add3A_609 = arith.addf %scan3A_523, %broadcast_in_dim3A_245 : vector<16xf32>
      scf.yield %add3A_598, %add3A_601, %add3A_604, %add3A_607, %add3A_608, %add3A_609 : vector<16xf32>, vector<16xf32>, vector<16xf32>, vector<16xf32>, vector<16xf32>, vector<16xf32>
    }
    %scan3A_330 = arith.constant 32 : i32
    %dma_wait3A_331 = arith.constant 18 : i32
    %dma_wait3A_332 = arith.constant 4608 : i32
    %dma_wait3A_333 = tpu.memref_slice %arg4[%dma_wait3A_332] : memref<13824xf32, #tpu.memory_space<vmem>> -> memref<512xf32, #tpu.memory_space<vmem>>
    %dma_wait3A_334 = tpu.memref_slice %arg2[%dma_wait3A_331, %mul3A_2] : memref<63x16384xf32, #tpu.memory_space<hbm>> -> memref<1x512xf32, #tpu.memory_space<hbm>>
    %dma_wait3A_335 = tpu.memref_squeeze %dma_wait3A_334 : memref<1x512xf32, #tpu.memory_space<hbm>> -> memref<512xf32, #tpu.memory_space<hbm>>
    %dma_wait3A_336 = arith.constant 4608 : i32
    %dma_wait3A_337 = tpu.memref_slice %arg4[%dma_wait3A_336] : memref<13824xf32, #tpu.memory_space<vmem>> -> memref<512xf32, #tpu.memory_space<vmem>>
    %dma_wait3A_338 = tpu.memref_slice %arg2[%dma_wait3A_331, %mul3A_2] : memref<63x16384xf32, #tpu.memory_space<hbm>> -> memref<1x512xf32, #tpu.memory_space<hbm>>
    %dma_wait3A_339 = tpu.memref_squeeze %dma_wait3A_338 : memref<1x512xf32, #tpu.memory_space<hbm>> -> memref<512xf32, #tpu.memory_space<hbm>>
    tpu.wait_dma2 semaphore(%arg6 : memref<!tpu.dma_semaphore, #tpu.memory_space<semaphore_mem>>) src(%dma_wait3A_339 : memref<512xf32, #tpu.memory_space<hbm>>) dst(%dma_wait3A_337 : memref<512xf32, #tpu.memory_space<vmem>>)
    %dma_wait3A_340 = arith.constant 21 : i32
    %dma_wait3A_341 = arith.constant 5120 : i32
    %dma_wait3A_342 = tpu.memref_slice %arg4[%dma_wait3A_341] : memref<13824xf32, #tpu.memory_space<vmem>> -> memref<512xf32, #tpu.memory_space<vmem>>
    %dma_wait3A_343 = tpu.memref_slice %arg2[%dma_wait3A_340, %mul3A_2] : memref<63x16384xf32, #tpu.memory_space<hbm>> -> memref<1x512xf32, #tpu.memory_space<hbm>>
    %dma_wait3A_344 = tpu.memref_squeeze %dma_wait3A_343 : memref<1x512xf32, #tpu.memory_space<hbm>> -> memref<512xf32, #tpu.memory_space<hbm>>
    %dma_wait3A_345 = arith.constant 5120 : i32
    %dma_wait3A_346 = tpu.memref_slice %arg4[%dma_wait3A_345] : memref<13824xf32, #tpu.memory_space<vmem>> -> memref<512xf32, #tpu.memory_space<vmem>>
    %dma_wait3A_347 = tpu.memref_slice %arg2[%dma_wait3A_340, %mul3A_2] : memref<63x16384xf32, #tpu.memory_space<hbm>> -> memref<1x512xf32, #tpu.memory_space<hbm>>
    %dma_wait3A_348 = tpu.memref_squeeze %dma_wait3A_347 : memref<1x512xf32, #tpu.memory_space<hbm>> -> memref<512xf32, #tpu.memory_space<hbm>>
    tpu.wait_dma2 semaphore(%arg6 : memref<!tpu.dma_semaphore, #tpu.memory_space<semaphore_mem>>) src(%dma_wait3A_348 : memref<512xf32, #tpu.memory_space<hbm>>) dst(%dma_wait3A_346 : memref<512xf32, #tpu.memory_space<vmem>>)
    %dma_wait3A_349 = arith.constant 24 : i32
    %dma_wait3A_350 = arith.constant 5632 : i32
    %dma_wait3A_351 = tpu.memref_slice %arg4[%dma_wait3A_350] : memref<13824xf32, #tpu.memory_space<vmem>> -> memref<512xf32, #tpu.memory_space<vmem>>
    %dma_wait3A_352 = tpu.memref_slice %arg2[%dma_wait3A_349, %mul3A_2] : memref<63x16384xf32, #tpu.memory_space<hbm>> -> memref<1x512xf32, #tpu.memory_space<hbm>>
    %dma_wait3A_353 = tpu.memref_squeeze %dma_wait3A_352 : memref<1x512xf32, #tpu.memory_space<hbm>> -> memref<512xf32, #tpu.memory_space<hbm>>
    %dma_wait3A_354 = arith.constant 5632 : i32
    %dma_wait3A_355 = tpu.memref_slice %arg4[%dma_wait3A_354] : memref<13824xf32, #tpu.memory_space<vmem>> -> memref<512xf32, #tpu.memory_space<vmem>>
    %dma_wait3A_356 = tpu.memref_slice %arg2[%dma_wait3A_349, %mul3A_2] : memref<63x16384xf32, #tpu.memory_space<hbm>> -> memref<1x512xf32, #tpu.memory_space<hbm>>
    %dma_wait3A_357 = tpu.memref_squeeze %dma_wait3A_356 : memref<1x512xf32, #tpu.memory_space<hbm>> -> memref<512xf32, #tpu.memory_space<hbm>>
    tpu.wait_dma2 semaphore(%arg6 : memref<!tpu.dma_semaphore, #tpu.memory_space<semaphore_mem>>) src(%dma_wait3A_357 : memref<512xf32, #tpu.memory_space<hbm>>) dst(%dma_wait3A_355 : memref<512xf32, #tpu.memory_space<vmem>>)
    %dma_wait3A_358 = arith.constant 33 : i32
    %dma_wait3A_359 = arith.constant 6144 : i32
    %dma_wait3A_360 = tpu.memref_slice %arg4[%dma_wait3A_359] : memref<13824xf32, #tpu.memory_space<vmem>> -> memref<512xf32, #tpu.memory_space<vmem>>
    %dma_wait3A_361 = tpu.memref_slice %arg2[%dma_wait3A_358, %mul3A_2] : memref<63x16384xf32, #tpu.memory_space<hbm>> -> memref<1x512xf32, #tpu.memory_space<hbm>>
    %dma_wait3A_362 = tpu.memref_squeeze %dma_wait3A_361 : memref<1x512xf32, #tpu.memory_space<hbm>> -> memref<512xf32, #tpu.memory_space<hbm>>
    %dma_wait3A_363 = arith.constant 6144 : i32
    %dma_wait3A_364 = tpu.memref_slice %arg4[%dma_wait3A_363] : memref<13824xf32, #tpu.memory_space<vmem>> -> memref<512xf32, #tpu.memory_space<vmem>>
    %dma_wait3A_365 = tpu.memref_slice %arg2[%dma_wait3A_358, %mul3A_2] : memref<63x16384xf32, #tpu.memory_space<hbm>> -> memref<1x512xf32, #tpu.memory_space<hbm>>
    %dma_wait3A_366 = tpu.memref_squeeze %dma_wait3A_365 : memref<1x512xf32, #tpu.memory_space<hbm>> -> memref<512xf32, #tpu.memory_space<hbm>>
    tpu.wait_dma2 semaphore(%arg6 : memref<!tpu.dma_semaphore, #tpu.memory_space<semaphore_mem>>) src(%dma_wait3A_366 : memref<512xf32, #tpu.memory_space<hbm>>) dst(%dma_wait3A_364 : memref<512xf32, #tpu.memory_space<vmem>>)
    %dma_wait3A_367 = arith.constant 40 : i32
    %dma_wait3A_368 = arith.constant 6656 : i32
    %dma_wait3A_369 = tpu.memref_slice %arg4[%dma_wait3A_368] : memref<13824xf32, #tpu.memory_space<vmem>> -> memref<512xf32, #tpu.memory_space<vmem>>
    %dma_wait3A_370 = tpu.memref_slice %arg2[%dma_wait3A_367, %mul3A_2] : memref<63x16384xf32, #tpu.memory_space<hbm>> -> memref<1x512xf32, #tpu.memory_space<hbm>>
    %dma_wait3A_371 = tpu.memref_squeeze %dma_wait3A_370 : memref<1x512xf32, #tpu.memory_space<hbm>> -> memref<512xf32, #tpu.memory_space<hbm>>
    %dma_wait3A_372 = arith.constant 6656 : i32
    %dma_wait3A_373 = tpu.memref_slice %arg4[%dma_wait3A_372] : memref<13824xf32, #tpu.memory_space<vmem>> -> memref<512xf32, #tpu.memory_space<vmem>>
    %dma_wait3A_374 = tpu.memref_slice %arg2[%dma_wait3A_367, %mul3A_2] : memref<63x16384xf32, #tpu.memory_space<hbm>> -> memref<1x512xf32, #tpu.memory_space<hbm>>
    %dma_wait3A_375 = tpu.memref_squeeze %dma_wait3A_374 : memref<1x512xf32, #tpu.memory_space<hbm>> -> memref<512xf32, #tpu.memory_space<hbm>>
    tpu.wait_dma2 semaphore(%arg6 : memref<!tpu.dma_semaphore, #tpu.memory_space<semaphore_mem>>) src(%dma_wait3A_375 : memref<512xf32, #tpu.memory_space<hbm>>) dst(%dma_wait3A_373 : memref<512xf32, #tpu.memory_space<vmem>>)
    %dma_wait3A_376 = arith.constant 49 : i32
    %dma_wait3A_377 = arith.constant 7168 : i32
    %dma_wait3A_378 = tpu.memref_slice %arg4[%dma_wait3A_377] : memref<13824xf32, #tpu.memory_space<vmem>> -> memref<512xf32, #tpu.memory_space<vmem>>
    %dma_wait3A_379 = tpu.memref_slice %arg2[%dma_wait3A_376, %mul3A_2] : memref<63x16384xf32, #tpu.memory_space<hbm>> -> memref<1x512xf32, #tpu.memory_space<hbm>>
    %dma_wait3A_380 = tpu.memref_squeeze %dma_wait3A_379 : memref<1x512xf32, #tpu.memory_space<hbm>> -> memref<512xf32, #tpu.memory_space<hbm>>
    %dma_wait3A_381 = arith.constant 7168 : i32
    %dma_wait3A_382 = tpu.memref_slice %arg4[%dma_wait3A_381] : memref<13824xf32, #tpu.memory_space<vmem>> -> memref<512xf32, #tpu.memory_space<vmem>>
    %dma_wait3A_383 = tpu.memref_slice %arg2[%dma_wait3A_376, %mul3A_2] : memref<63x16384xf32, #tpu.memory_space<hbm>> -> memref<1x512xf32, #tpu.memory_space<hbm>>
    %dma_wait3A_384 = tpu.memref_squeeze %dma_wait3A_383 : memref<1x512xf32, #tpu.memory_space<hbm>> -> memref<512xf32, #tpu.memory_space<hbm>>
    tpu.wait_dma2 semaphore(%arg6 : memref<!tpu.dma_semaphore, #tpu.memory_space<semaphore_mem>>) src(%dma_wait3A_384 : memref<512xf32, #tpu.memory_space<hbm>>) dst(%dma_wait3A_382 : memref<512xf32, #tpu.memory_space<vmem>>)
    %dma_wait3A_385 = arith.constant 55 : i32
    %dma_wait3A_386 = arith.constant 7680 : i32
    %dma_wait3A_387 = tpu.memref_slice %arg4[%dma_wait3A_386] : memref<13824xf32, #tpu.memory_space<vmem>> -> memref<512xf32, #tpu.memory_space<vmem>>
    %dma_wait3A_388 = tpu.memref_slice %arg2[%dma_wait3A_385, %mul3A_2] : memref<63x16384xf32, #tpu.memory_space<hbm>> -> memref<1x512xf32, #tpu.memory_space<hbm>>
    %dma_wait3A_389 = tpu.memref_squeeze %dma_wait3A_388 : memref<1x512xf32, #tpu.memory_space<hbm>> -> memref<512xf32, #tpu.memory_space<hbm>>
    %dma_wait3A_390 = arith.constant 7680 : i32
    %dma_wait3A_391 = tpu.memref_slice %arg4[%dma_wait3A_390] : memref<13824xf32, #tpu.memory_space<vmem>> -> memref<512xf32, #tpu.memory_space<vmem>>
    %dma_wait3A_392 = tpu.memref_slice %arg2[%dma_wait3A_385, %mul3A_2] : memref<63x16384xf32, #tpu.memory_space<hbm>> -> memref<1x512xf32, #tpu.memory_space<hbm>>
    %dma_wait3A_393 = tpu.memref_squeeze %dma_wait3A_392 : memref<1x512xf32, #tpu.memory_space<hbm>> -> memref<512xf32, #tpu.memory_space<hbm>>
    tpu.wait_dma2 semaphore(%arg6 : memref<!tpu.dma_semaphore, #tpu.memory_space<semaphore_mem>>) src(%dma_wait3A_393 : memref<512xf32, #tpu.memory_space<hbm>>) dst(%dma_wait3A_391 : memref<512xf32, #tpu.memory_space<vmem>>)
    %dma_wait3A_394 = arith.constant 27 : i32
    %dma_wait3A_395 = arith.constant 8192 : i32
    %dma_wait3A_396 = tpu.memref_slice %arg4[%dma_wait3A_395] : memref<13824xf32, #tpu.memory_space<vmem>> -> memref<512xf32, #tpu.memory_space<vmem>>
    %dma_wait3A_397 = tpu.memref_slice %arg2[%dma_wait3A_394, %mul3A_2] : memref<63x16384xf32, #tpu.memory_space<hbm>> -> memref<1x512xf32, #tpu.memory_space<hbm>>
    %dma_wait3A_398 = tpu.memref_squeeze %dma_wait3A_397 : memref<1x512xf32, #tpu.memory_space<hbm>> -> memref<512xf32, #tpu.memory_space<hbm>>
    %dma_wait3A_399 = arith.constant 8192 : i32
    %dma_wait3A_400 = tpu.memref_slice %arg4[%dma_wait3A_399] : memref<13824xf32, #tpu.memory_space<vmem>> -> memref<512xf32, #tpu.memory_space<vmem>>
    %dma_wait3A_401 = tpu.memref_slice %arg2[%dma_wait3A_394, %mul3A_2] : memref<63x16384xf32, #tpu.memory_space<hbm>> -> memref<1x512xf32, #tpu.memory_space<hbm>>
    %dma_wait3A_402 = tpu.memref_squeeze %dma_wait3A_401 : memref<1x512xf32, #tpu.memory_space<hbm>> -> memref<512xf32, #tpu.memory_space<hbm>>
    tpu.wait_dma2 semaphore(%arg6 : memref<!tpu.dma_semaphore, #tpu.memory_space<semaphore_mem>>) src(%dma_wait3A_402 : memref<512xf32, #tpu.memory_space<hbm>>) dst(%dma_wait3A_400 : memref<512xf32, #tpu.memory_space<vmem>>)
    %dma_wait3A_403 = arith.constant 28 : i32
    %dma_wait3A_404 = arith.constant 8704 : i32
    %dma_wait3A_405 = tpu.memref_slice %arg4[%dma_wait3A_404] : memref<13824xf32, #tpu.memory_space<vmem>> -> memref<512xf32, #tpu.memory_space<vmem>>
    %dma_wait3A_406 = tpu.memref_slice %arg2[%dma_wait3A_403, %mul3A_2] : memref<63x16384xf32, #tpu.memory_space<hbm>> -> memref<1x512xf32, #tpu.memory_space<hbm>>
    %dma_wait3A_407 = tpu.memref_squeeze %dma_wait3A_406 : memref<1x512xf32, #tpu.memory_space<hbm>> -> memref<512xf32, #tpu.memory_space<hbm>>
    %dma_wait3A_408 = arith.constant 8704 : i32
    %dma_wait3A_409 = tpu.memref_slice %arg4[%dma_wait3A_408] : memref<13824xf32, #tpu.memory_space<vmem>> -> memref<512xf32, #tpu.memory_space<vmem>>
    %dma_wait3A_410 = tpu.memref_slice %arg2[%dma_wait3A_403, %mul3A_2] : memref<63x16384xf32, #tpu.memory_space<hbm>> -> memref<1x512xf32, #tpu.memory_space<hbm>>
    %dma_wait3A_411 = tpu.memref_squeeze %dma_wait3A_410 : memref<1x512xf32, #tpu.memory_space<hbm>> -> memref<512xf32, #tpu.memory_space<hbm>>
    tpu.wait_dma2 semaphore(%arg6 : memref<!tpu.dma_semaphore, #tpu.memory_space<semaphore_mem>>) src(%dma_wait3A_411 : memref<512xf32, #tpu.memory_space<hbm>>) dst(%dma_wait3A_409 : memref<512xf32, #tpu.memory_space<vmem>>)
    %scan3A_412 = arith.constant 0 : i32
    %scan3A_413 = arith.constant 32 : i32
    %scan3A_414 = arith.addi %scan3A_412, %scan3A_413 : i32
    %scan3A_415 = arith.constant 1 : i32
    %scan3A_416:6 = scf.for %scan3A_517 = %scan3A_412 to %scan3A_414 step %scan3A_415 iter_args(%scan3A_518 = %scan3A_329#0, %scan3A_519 = %scan3A_329#1, %scan3A_520 = %scan3A_329#2, %scan3A_521 = %scan3A_329#3, %scan3A_522 = %scan3A_329#4, %scan3A_523 = %scan3A_329#5) -> (vector<16xf32>, vector<16xf32>, vector<16xf32>, vector<16xf32>, vector<16xf32>, vector<16xf32>)  : i32 {
      %mul3A_524 = arith.constant 16 : i32
      %mul3A_525 = arith.muli %scan3A_517, %mul3A_524 : i32
      %add3A_526 = arith.constant 4608 : i32
      %add3A_527 = arith.addi %add3A_526, %mul3A_525 : i32
      %get3A = arith.index_cast %add3A_527 : i32 to index
      %get3A_528 = tpu.vector_load %arg4[%get3A] {strides = array<i32>} : memref<13824xf32, #tpu.memory_space<vmem>>, vector<16xf32>,
      %get3A_529 = vector.shape_cast %get3A_528 : vector<16xf32> to vector<16xf32>
      %min3A = arith.constant 0.000000e+00 : f32
      %min3A_530 = vector.broadcast %min3A : f32 to vector<16xf32>
      %min3A_531 = arith.minimumf %get3A_529, %min3A_530 : vector<16xf32>
      %add3A_532 = arith.constant 5120 : i32
      %add3A_533 = arith.addi %add3A_532, %mul3A_525 : i32
      %get3A_534 = arith.index_cast %add3A_533 : i32 to index
      %get3A_535 = tpu.vector_load %arg4[%get3A_534] {strides = array<i32>} : memref<13824xf32, #tpu.memory_space<vmem>>, vector<16xf32>,
      %get3A_536 = vector.shape_cast %get3A_535 : vector<16xf32> to vector<16xf32>
      %min3A_537 = arith.constant 0.000000e+00 : f32
      %min3A_538 = vector.broadcast %min3A_537 : f32 to vector<16xf32>
      %min3A_539 = arith.minimumf %get3A_536, %min3A_538 : vector<16xf32>
      %add3A_540 = arith.constant 5632 : i32
      %add3A_541 = arith.addi %add3A_540, %mul3A_525 : i32
      %get3A_542 = arith.index_cast %add3A_541 : i32 to index
      %get3A_543 = tpu.vector_load %arg4[%get3A_542] {strides = array<i32>} : memref<13824xf32, #tpu.memory_space<vmem>>, vector<16xf32>,
      %get3A_544 = vector.shape_cast %get3A_543 : vector<16xf32> to vector<16xf32>
      %min3A_545 = arith.constant 0.000000e+00 : f32
      %min3A_546 = vector.broadcast %min3A_545 : f32 to vector<16xf32>
      %min3A_547 = arith.minimumf %get3A_544, %min3A_546 : vector<16xf32>
      %add3A_548 = arith.constant 6144 : i32
      %add3A_549 = arith.addi %add3A_548, %mul3A_525 : i32
      %get3A_550 = arith.index_cast %add3A_549 : i32 to index
      %get3A_551 = tpu.vector_load %arg4[%get3A_550] {strides = array<i32>} : memref<13824xf32, #tpu.memory_space<vmem>>, vector<16xf32>,
      %get3A_552 = vector.shape_cast %get3A_551 : vector<16xf32> to vector<16xf32>
      %min3A_553 = arith.constant 0.000000e+00 : f32
      %min3A_554 = vector.broadcast %min3A_553 : f32 to vector<16xf32>
      %min3A_555 = arith.minimumf %get3A_552, %min3A_554 : vector<16xf32>
      %add3A_556 = arith.constant 6656 : i32
      %add3A_557 = arith.addi %add3A_556, %mul3A_525 : i32
      %get3A_558 = arith.index_cast %add3A_557 : i32 to index
      %get3A_559 = tpu.vector_load %arg4[%get3A_558] {strides = array<i32>} : memref<13824xf32, #tpu.memory_space<vmem>>, vector<16xf32>,
      %get3A_560 = vector.shape_cast %get3A_559 : vector<16xf32> to vector<16xf32>
      %min3A_561 = arith.constant 0.000000e+00 : f32
      %min3A_562 = vector.broadcast %min3A_561 : f32 to vector<16xf32>
      %min3A_563 = arith.minimumf %get3A_560, %min3A_562 : vector<16xf32>
      %add3A_564 = arith.constant 7168 : i32
      %add3A_565 = arith.addi %add3A_564, %mul3A_525 : i32
      %get3A_566 = arith.index_cast %add3A_565 : i32 to index
      %get3A_567 = tpu.vector_load %arg4[%get3A_566] {strides = array<i32>} : memref<13824xf32, #tpu.memory_space<vmem>>, vector<16xf32>,
      %get3A_568 = vector.shape_cast %get3A_567 : vector<16xf32> to vector<16xf32>
      %min3A_569 = arith.constant 0.000000e+00 : f32
      %min3A_570 = vector.broadcast %min3A_569 : f32 to vector<16xf32>
      %min3A_571 = arith.minimumf %get3A_568, %min3A_570 : vector<16xf32>
      %add3A_572 = arith.constant 7680 : i32
      %add3A_573 = arith.addi %add3A_572, %mul3A_525 : i32
      %get3A_574 = arith.index_cast %add3A_573 : i32 to index
      %get3A_575 = tpu.vector_load %arg4[%get3A_574] {strides = array<i32>} : memref<13824xf32, #tpu.memory_space<vmem>>, vector<16xf32>,
      %get3A_576 = vector.shape_cast %get3A_575 : vector<16xf32> to vector<16xf32>
      %min3A_577 = arith.constant 0.000000e+00 : f32
      %min3A_578 = vector.broadcast %min3A_577 : f32 to vector<16xf32>
      %min3A_579 = arith.minimumf %get3A_576, %min3A_578 : vector<16xf32>
      %add3A_580 = arith.constant 8192 : i32
      %add3A_581 = arith.addi %add3A_580, %mul3A_525 : i32
      %get3A_582 = arith.index_cast %add3A_581 : i32 to index
      %get3A_583 = tpu.vector_load %arg4[%get3A_582] {strides = array<i32>} : memref<13824xf32, #tpu.memory_space<vmem>>, vector<16xf32>,
      %get3A_584 = vector.shape_cast %get3A_583 : vector<16xf32> to vector<16xf32>
      %abs3A = math.absf %get3A_584 : vector<16xf32>
      %add3A_585 = arith.constant 8704 : i32
      %add3A_586 = arith.addi %add3A_585, %mul3A_525 : i32
      %get3A_587 = arith.index_cast %add3A_586 : i32 to index
      %get3A_588 = tpu.vector_load %arg4[%get3A_587] {strides = array<i32>} : memref<13824xf32, #tpu.memory_space<vmem>>, vector<16xf32>,
      %get3A_589 = vector.shape_cast %get3A_588 : vector<16xf32> to vector<16xf32>
      %abs3A_590 = math.absf %get3A_589 : vector<16xf32>
      %add3A_591 = arith.addf %scan3A_518, %broadcast_in_dim3A_245 : vector<16xf32>
      %add3A_592 = arith.addf %scan3A_519, %broadcast_in_dim3A_245 : vector<16xf32>
      %add3A_593 = arith.addf %broadcast_in_dim3A_245, %min3A_531 : vector<16xf32>
      %add3A_594 = arith.addf %add3A_593, %min3A_547 : vector<16xf32>
      %add3A_595 = arith.addf %add3A_594, %min3A_563 : vector<16xf32>
      %add3A_596 = arith.addf %add3A_595, %min3A_579 : vector<16xf32>
      %add3A_597 = arith.addf %scan3A_520, %add3A_596 : vector<16xf32>
      %add3A_598 = arith.addf %broadcast_in_dim3A_245, %min3A_539 : vector<16xf32>
      %add3A_599 = arith.addf %add3A_598, %min3A_555 : vector<16xf32>
      %add3A_600 = arith.addf %add3A_599, %min3A_571 : vector<16xf32>
      %add3A_601 = arith.addf %scan3A_521, %add3A_600 : vector<16xf32>
      %add3A_602 = arith.addf %broadcast_in_dim3A_245, %abs3A : vector<16xf32>
      %add3A_603 = arith.addf %scan3A_522, %add3A_602 : vector<16xf32>
      %add3A_604 = arith.addf %broadcast_in_dim3A_245, %abs3A_590 : vector<16xf32>
      %add3A_605 = arith.addf %scan3A_523, %add3A_604 : vector<16xf32>
      scf.yield %add3A_591, %add3A_592, %add3A_597, %add3A_601, %add3A_603, %add3A_605 : vector<16xf32>, vector<16xf32>, vector<16xf32>, vector<16xf32>, vector<16xf32>, vector<16xf32>
    }
    %scan3A_417 = arith.constant 32 : i32
    %dma_wait3A_418 = arith.constant 29 : i32
    %dma_wait3A_419 = arith.constant 9216 : i32
    %dma_wait3A_420 = tpu.memref_slice %arg4[%dma_wait3A_419] : memref<13824xf32, #tpu.memory_space<vmem>> -> memref<512xf32, #tpu.memory_space<vmem>>
    %dma_wait3A_421 = tpu.memref_slice %arg2[%dma_wait3A_418, %mul3A_2] : memref<63x16384xf32, #tpu.memory_space<hbm>> -> memref<1x512xf32, #tpu.memory_space<hbm>>
    %dma_wait3A_422 = tpu.memref_squeeze %dma_wait3A_421 : memref<1x512xf32, #tpu.memory_space<hbm>> -> memref<512xf32, #tpu.memory_space<hbm>>
    %dma_wait3A_423 = arith.constant 9216 : i32
    %dma_wait3A_424 = tpu.memref_slice %arg4[%dma_wait3A_423] : memref<13824xf32, #tpu.memory_space<vmem>> -> memref<512xf32, #tpu.memory_space<vmem>>
    %dma_wait3A_425 = tpu.memref_slice %arg2[%dma_wait3A_418, %mul3A_2] : memref<63x16384xf32, #tpu.memory_space<hbm>> -> memref<1x512xf32, #tpu.memory_space<hbm>>
    %dma_wait3A_426 = tpu.memref_squeeze %dma_wait3A_425 : memref<1x512xf32, #tpu.memory_space<hbm>> -> memref<512xf32, #tpu.memory_space<hbm>>
    tpu.wait_dma2 semaphore(%arg6 : memref<!tpu.dma_semaphore, #tpu.memory_space<semaphore_mem>>) src(%dma_wait3A_426 : memref<512xf32, #tpu.memory_space<hbm>>) dst(%dma_wait3A_424 : memref<512xf32, #tpu.memory_space<vmem>>)
    %dma_wait3A_427 = arith.constant 30 : i32
    %dma_wait3A_428 = arith.constant 9728 : i32
    %dma_wait3A_429 = tpu.memref_slice %arg4[%dma_wait3A_428] : memref<13824xf32, #tpu.memory_space<vmem>> -> memref<512xf32, #tpu.memory_space<vmem>>
    %dma_wait3A_430 = tpu.memref_slice %arg2[%dma_wait3A_427, %mul3A_2] : memref<63x16384xf32, #tpu.memory_space<hbm>> -> memref<1x512xf32, #tpu.memory_space<hbm>>
    %dma_wait3A_431 = tpu.memref_squeeze %dma_wait3A_430 : memref<1x512xf32, #tpu.memory_space<hbm>> -> memref<512xf32, #tpu.memory_space<hbm>>
    %dma_wait3A_432 = arith.constant 9728 : i32
    %dma_wait3A_433 = tpu.memref_slice %arg4[%dma_wait3A_432] : memref<13824xf32, #tpu.memory_space<vmem>> -> memref<512xf32, #tpu.memory_space<vmem>>
    %dma_wait3A_434 = tpu.memref_slice %arg2[%dma_wait3A_427, %mul3A_2] : memref<63x16384xf32, #tpu.memory_space<hbm>> -> memref<1x512xf32, #tpu.memory_space<hbm>>
    %dma_wait3A_435 = tpu.memref_squeeze %dma_wait3A_434 : memref<1x512xf32, #tpu.memory_space<hbm>> -> memref<512xf32, #tpu.memory_space<hbm>>
    tpu.wait_dma2 semaphore(%arg6 : memref<!tpu.dma_semaphore, #tpu.memory_space<semaphore_mem>>) src(%dma_wait3A_435 : memref<512xf32, #tpu.memory_space<hbm>>) dst(%dma_wait3A_433 : memref<512xf32, #tpu.memory_space<vmem>>)
    %dma_wait3A_436 = arith.constant 31 : i32
    %dma_wait3A_437 = arith.constant 10240 : i32
    %dma_wait3A_438 = tpu.memref_slice %arg4[%dma_wait3A_437] : memref<13824xf32, #tpu.memory_space<vmem>> -> memref<512xf32, #tpu.memory_space<vmem>>
    %dma_wait3A_439 = tpu.memref_slice %arg2[%dma_wait3A_436, %mul3A_2] : memref<63x16384xf32, #tpu.memory_space<hbm>> -> memref<1x512xf32, #tpu.memory_space<hbm>>
    %dma_wait3A_440 = tpu.memref_squeeze %dma_wait3A_439 : memref<1x512xf32, #tpu.memory_space<hbm>> -> memref<512xf32, #tpu.memory_space<hbm>>
    %dma_wait3A_441 = arith.constant 10240 : i32
    %dma_wait3A_442 = tpu.memref_slice %arg4[%dma_wait3A_441] : memref<13824xf32, #tpu.memory_space<vmem>> -> memref<512xf32, #tpu.memory_space<vmem>>
    %dma_wait3A_443 = tpu.memref_slice %arg2[%dma_wait3A_436, %mul3A_2] : memref<63x16384xf32, #tpu.memory_space<hbm>> -> memref<1x512xf32, #tpu.memory_space<hbm>>
    %dma_wait3A_444 = tpu.memref_squeeze %dma_wait3A_443 : memref<1x512xf32, #tpu.memory_space<hbm>> -> memref<512xf32, #tpu.memory_space<hbm>>
    tpu.wait_dma2 semaphore(%arg6 : memref<!tpu.dma_semaphore, #tpu.memory_space<semaphore_mem>>) src(%dma_wait3A_444 : memref<512xf32, #tpu.memory_space<hbm>>) dst(%dma_wait3A_442 : memref<512xf32, #tpu.memory_space<vmem>>)
    %dma_wait3A_445 = arith.constant 32 : i32
    %dma_wait3A_446 = arith.constant 10752 : i32
    %dma_wait3A_447 = tpu.memref_slice %arg4[%dma_wait3A_446] : memref<13824xf32, #tpu.memory_space<vmem>> -> memref<512xf32, #tpu.memory_space<vmem>>
    %dma_wait3A_448 = tpu.memref_slice %arg2[%dma_wait3A_445, %mul3A_2] : memref<63x16384xf32, #tpu.memory_space<hbm>> -> memref<1x512xf32, #tpu.memory_space<hbm>>
    %dma_wait3A_449 = tpu.memref_squeeze %dma_wait3A_448 : memref<1x512xf32, #tpu.memory_space<hbm>> -> memref<512xf32, #tpu.memory_space<hbm>>
    %dma_wait3A_450 = arith.constant 10752 : i32
    %dma_wait3A_451 = tpu.memref_slice %arg4[%dma_wait3A_450] : memref<13824xf32, #tpu.memory_space<vmem>> -> memref<512xf32, #tpu.memory_space<vmem>>
    %dma_wait3A_452 = tpu.memref_slice %arg2[%dma_wait3A_445, %mul3A_2] : memref<63x16384xf32, #tpu.memory_space<hbm>> -> memref<1x512xf32, #tpu.memory_space<hbm>>
    %dma_wait3A_453 = tpu.memref_squeeze %dma_wait3A_452 : memref<1x512xf32, #tpu.memory_space<hbm>> -> memref<512xf32, #tpu.memory_space<hbm>>
    tpu.wait_dma2 semaphore(%arg6 : memref<!tpu.dma_semaphore, #tpu.memory_space<semaphore_mem>>) src(%dma_wait3A_453 : memref<512xf32, #tpu.memory_space<hbm>>) dst(%dma_wait3A_451 : memref<512xf32, #tpu.memory_space<vmem>>)
    %dma_wait3A_454 = arith.constant 42 : i32
    %dma_wait3A_455 = arith.constant 11264 : i32
    %dma_wait3A_456 = tpu.memref_slice %arg4[%dma_wait3A_455] : memref<13824xf32, #tpu.memory_space<vmem>> -> memref<512xf32, #tpu.memory_space<vmem>>
    %dma_wait3A_457 = tpu.memref_slice %arg2[%dma_wait3A_454, %mul3A_2] : memref<63x16384xf32, #tpu.memory_space<hbm>> -> memref<1x512xf32, #tpu.memory_space<hbm>>
    %dma_wait3A_458 = tpu.memref_squeeze %dma_wait3A_457 : memref<1x512xf32, #tpu.memory_space<hbm>> -> memref<512xf32, #tpu.memory_space<hbm>>
    %dma_wait3A_459 = arith.constant 11264 : i32
    %dma_wait3A_460 = tpu.memref_slice %arg4[%dma_wait3A_459] : memref<13824xf32, #tpu.memory_space<vmem>> -> memref<512xf32, #tpu.memory_space<vmem>>
    %dma_wait3A_461 = tpu.memref_slice %arg2[%dma_wait3A_454, %mul3A_2] : memref<63x16384xf32, #tpu.memory_space<hbm>> -> memref<1x512xf32, #tpu.memory_space<hbm>>
    %dma_wait3A_462 = tpu.memref_squeeze %dma_wait3A_461 : memref<1x512xf32, #tpu.memory_space<hbm>> -> memref<512xf32, #tpu.memory_space<hbm>>
    tpu.wait_dma2 semaphore(%arg6 : memref<!tpu.dma_semaphore, #tpu.memory_space<semaphore_mem>>) src(%dma_wait3A_462 : memref<512xf32, #tpu.memory_space<hbm>>) dst(%dma_wait3A_460 : memref<512xf32, #tpu.memory_space<vmem>>)
    %dma_wait3A_463 = arith.constant 43 : i32
    %dma_wait3A_464 = arith.constant 11776 : i32
    %dma_wait3A_465 = tpu.memref_slice %arg4[%dma_wait3A_464] : memref<13824xf32, #tpu.memory_space<vmem>> -> memref<512xf32, #tpu.memory_space<vmem>>
    %dma_wait3A_466 = tpu.memref_slice %arg2[%dma_wait3A_463, %mul3A_2] : memref<63x16384xf32, #tpu.memory_space<hbm>> -> memref<1x512xf32, #tpu.memory_space<hbm>>
    %dma_wait3A_467 = tpu.memref_squeeze %dma_wait3A_466 : memref<1x512xf32, #tpu.memory_space<hbm>> -> memref<512xf32, #tpu.memory_space<hbm>>
    %dma_wait3A_468 = arith.constant 11776 : i32
    %dma_wait3A_469 = tpu.memref_slice %arg4[%dma_wait3A_468] : memref<13824xf32, #tpu.memory_space<vmem>> -> memref<512xf32, #tpu.memory_space<vmem>>
    %dma_wait3A_470 = tpu.memref_slice %arg2[%dma_wait3A_463, %mul3A_2] : memref<63x16384xf32, #tpu.memory_space<hbm>> -> memref<1x512xf32, #tpu.memory_space<hbm>>
    %dma_wait3A_471 = tpu.memref_squeeze %dma_wait3A_470 : memref<1x512xf32, #tpu.memory_space<hbm>> -> memref<512xf32, #tpu.memory_space<hbm>>
    tpu.wait_dma2 semaphore(%arg6 : memref<!tpu.dma_semaphore, #tpu.memory_space<semaphore_mem>>) src(%dma_wait3A_471 : memref<512xf32, #tpu.memory_space<hbm>>) dst(%dma_wait3A_469 : memref<512xf32, #tpu.memory_space<vmem>>)
    %dma_wait3A_472 = arith.constant 44 : i32
    %dma_wait3A_473 = arith.constant 12288 : i32
    %dma_wait3A_474 = tpu.memref_slice %arg4[%dma_wait3A_473] : memref<13824xf32, #tpu.memory_space<vmem>> -> memref<512xf32, #tpu.memory_space<vmem>>
    %dma_wait3A_475 = tpu.memref_slice %arg2[%dma_wait3A_472, %mul3A_2] : memref<63x16384xf32, #tpu.memory_space<hbm>> -> memref<1x512xf32, #tpu.memory_space<hbm>>
    %dma_wait3A_476 = tpu.memref_squeeze %dma_wait3A_475 : memref<1x512xf32, #tpu.memory_space<hbm>> -> memref<512xf32, #tpu.memory_space<hbm>>
    %dma_wait3A_477 = arith.constant 12288 : i32
    %dma_wait3A_478 = tpu.memref_slice %arg4[%dma_wait3A_477] : memref<13824xf32, #tpu.memory_space<vmem>> -> memref<512xf32, #tpu.memory_space<vmem>>
    %dma_wait3A_479 = tpu.memref_slice %arg2[%dma_wait3A_472, %mul3A_2] : memref<63x16384xf32, #tpu.memory_space<hbm>> -> memref<1x512xf32, #tpu.memory_space<hbm>>
    %dma_wait3A_480 = tpu.memref_squeeze %dma_wait3A_479 : memref<1x512xf32, #tpu.memory_space<hbm>> -> memref<512xf32, #tpu.memory_space<hbm>>
    tpu.wait_dma2 semaphore(%arg6 : memref<!tpu.dma_semaphore, #tpu.memory_space<semaphore_mem>>) src(%dma_wait3A_480 : memref<512xf32, #tpu.memory_space<hbm>>) dst(%dma_wait3A_478 : memref<512xf32, #tpu.memory_space<vmem>>)
    %dma_wait3A_481 = arith.constant 58 : i32
    %dma_wait3A_482 = arith.constant 12800 : i32
    %dma_wait3A_483 = tpu.memref_slice %arg4[%dma_wait3A_482] : memref<13824xf32, #tpu.memory_space<vmem>> -> memref<512xf32, #tpu.memory_space<vmem>>
    %dma_wait3A_484 = tpu.memref_slice %arg2[%dma_wait3A_481, %mul3A_2] : memref<63x16384xf32, #tpu.memory_space<hbm>> -> memref<1x512xf32, #tpu.memory_space<hbm>>
    %dma_wait3A_485 = tpu.memref_squeeze %dma_wait3A_484 : memref<1x512xf32, #tpu.memory_space<hbm>> -> memref<512xf32, #tpu.memory_space<hbm>>
    %dma_wait3A_486 = arith.constant 12800 : i32
    %dma_wait3A_487 = tpu.memref_slice %arg4[%dma_wait3A_486] : memref<13824xf32, #tpu.memory_space<vmem>> -> memref<512xf32, #tpu.memory_space<vmem>>
    %dma_wait3A_488 = tpu.memref_slice %arg2[%dma_wait3A_481, %mul3A_2] : memref<63x16384xf32, #tpu.memory_space<hbm>> -> memref<1x512xf32, #tpu.memory_space<hbm>>
    %dma_wait3A_489 = tpu.memref_squeeze %dma_wait3A_488 : memref<1x512xf32, #tpu.memory_space<hbm>> -> memref<512xf32, #tpu.memory_space<hbm>>
    tpu.wait_dma2 semaphore(%arg6 : memref<!tpu.dma_semaphore, #tpu.memory_space<semaphore_mem>>) src(%dma_wait3A_489 : memref<512xf32, #tpu.memory_space<hbm>>) dst(%dma_wait3A_487 : memref<512xf32, #tpu.memory_space<vmem>>)
    %dma_wait3A_490 = arith.constant 61 : i32
    %dma_wait3A_491 = arith.constant 13312 : i32
    %dma_wait3A_492 = tpu.memref_slice %arg4[%dma_wait3A_491] : memref<13824xf32, #tpu.memory_space<vmem>> -> memref<512xf32, #tpu.memory_space<vmem>>
    %dma_wait3A_493 = tpu.memref_slice %arg2[%dma_wait3A_490, %mul3A_2] : memref<63x16384xf32, #tpu.memory_space<hbm>> -> memref<1x512xf32, #tpu.memory_space<hbm>>
    %dma_wait3A_494 = tpu.memref_squeeze %dma_wait3A_493 : memref<1x512xf32, #tpu.memory_space<hbm>> -> memref<512xf32, #tpu.memory_space<hbm>>
    %dma_wait3A_495 = arith.constant 13312 : i32
    %dma_wait3A_496 = tpu.memref_slice %arg4[%dma_wait3A_495] : memref<13824xf32, #tpu.memory_space<vmem>> -> memref<512xf32, #tpu.memory_space<vmem>>
    %dma_wait3A_497 = tpu.memref_slice %arg2[%dma_wait3A_490, %mul3A_2] : memref<63x16384xf32, #tpu.memory_space<hbm>> -> memref<1x512xf32, #tpu.memory_space<hbm>>
    %dma_wait3A_498 = tpu.memref_squeeze %dma_wait3A_497 : memref<1x512xf32, #tpu.memory_space<hbm>> -> memref<512xf32, #tpu.memory_space<hbm>>
    tpu.wait_dma2 semaphore(%arg6 : memref<!tpu.dma_semaphore, #tpu.memory_space<semaphore_mem>>) src(%dma_wait3A_498 : memref<512xf32, #tpu.memory_space<hbm>>) dst(%dma_wait3A_496 : memref<512xf32, #tpu.memory_space<vmem>>)
    %scan3A_499 = arith.constant 0 : i32
    %scan3A_500 = arith.constant 32 : i32
    %scan3A_501 = arith.addi %scan3A_499, %scan3A_500 : i32
    %scan3A_502 = arith.constant 1 : i32
    %scan3A_503:6 = scf.for %scan3A_517 = %scan3A_499 to %scan3A_501 step %scan3A_502 iter_args(%scan3A_518 = %scan3A_416#0, %scan3A_519 = %scan3A_416#1, %scan3A_520 = %scan3A_416#2, %scan3A_521 = %scan3A_416#3, %scan3A_522 = %scan3A_416#4, %scan3A_523 = %scan3A_416#5) -> (vector<16xf32>, vector<16xf32>, vector<16xf32>, vector<16xf32>, vector<16xf32>, vector<16xf32>)  : i32 {
      %mul3A_524 = arith.constant 16 : i32
      %mul3A_525 = arith.muli %scan3A_517, %mul3A_524 : i32
      %add3A_526 = arith.constant 9216 : i32
      %add3A_527 = arith.addi %add3A_526, %mul3A_525 : i32
      %get3A = arith.index_cast %add3A_527 : i32 to index
      %get3A_528 = tpu.vector_load %arg4[%get3A] {strides = array<i32>} : memref<13824xf32, #tpu.memory_space<vmem>>, vector<16xf32>,
      %get3A_529 = vector.shape_cast %get3A_528 : vector<16xf32> to vector<16xf32>
      %abs3A = math.absf %get3A_529 : vector<16xf32>
      %add3A_530 = arith.constant 9728 : i32
      %add3A_531 = arith.addi %add3A_530, %mul3A_525 : i32
      %get3A_532 = arith.index_cast %add3A_531 : i32 to index
      %get3A_533 = tpu.vector_load %arg4[%get3A_532] {strides = array<i32>} : memref<13824xf32, #tpu.memory_space<vmem>>, vector<16xf32>,
      %get3A_534 = vector.shape_cast %get3A_533 : vector<16xf32> to vector<16xf32>
      %abs3A_535 = math.absf %get3A_534 : vector<16xf32>
      %add3A_536 = arith.constant 10240 : i32
      %add3A_537 = arith.addi %add3A_536, %mul3A_525 : i32
      %get3A_538 = arith.index_cast %add3A_537 : i32 to index
      %get3A_539 = tpu.vector_load %arg4[%get3A_538] {strides = array<i32>} : memref<13824xf32, #tpu.memory_space<vmem>>, vector<16xf32>,
      %get3A_540 = vector.shape_cast %get3A_539 : vector<16xf32> to vector<16xf32>
      %abs3A_541 = math.absf %get3A_540 : vector<16xf32>
      %add3A_542 = arith.constant 10752 : i32
      %add3A_543 = arith.addi %add3A_542, %mul3A_525 : i32
      %get3A_544 = arith.index_cast %add3A_543 : i32 to index
      %get3A_545 = tpu.vector_load %arg4[%get3A_544] {strides = array<i32>} : memref<13824xf32, #tpu.memory_space<vmem>>, vector<16xf32>,
      %get3A_546 = vector.shape_cast %get3A_545 : vector<16xf32> to vector<16xf32>
      %abs3A_547 = math.absf %get3A_546 : vector<16xf32>
      %add3A_548 = arith.constant 11264 : i32
      %add3A_549 = arith.addi %add3A_548, %mul3A_525 : i32
      %get3A_550 = arith.index_cast %add3A_549 : i32 to index
      %get3A_551 = tpu.vector_load %arg4[%get3A_550] {strides = array<i32>} : memref<13824xf32, #tpu.memory_space<vmem>>, vector<16xf32>,
      %get3A_552 = vector.shape_cast %get3A_551 : vector<16xf32> to vector<16xf32>
      %abs3A_553 = math.absf %get3A_552 : vector<16xf32>
      %add3A_554 = arith.constant 11776 : i32
      %add3A_555 = arith.addi %add3A_554, %mul3A_525 : i32
      %get3A_556 = arith.index_cast %add3A_555 : i32 to index
      %get3A_557 = tpu.vector_load %arg4[%get3A_556] {strides = array<i32>} : memref<13824xf32, #tpu.memory_space<vmem>>, vector<16xf32>,
      %get3A_558 = vector.shape_cast %get3A_557 : vector<16xf32> to vector<16xf32>
      %abs3A_559 = math.absf %get3A_558 : vector<16xf32>
      %add3A_560 = arith.constant 12288 : i32
      %add3A_561 = arith.addi %add3A_560, %mul3A_525 : i32
      %get3A_562 = arith.index_cast %add3A_561 : i32 to index
      %get3A_563 = tpu.vector_load %arg4[%get3A_562] {strides = array<i32>} : memref<13824xf32, #tpu.memory_space<vmem>>, vector<16xf32>,
      %get3A_564 = vector.shape_cast %get3A_563 : vector<16xf32> to vector<16xf32>
      %abs3A_565 = math.absf %get3A_564 : vector<16xf32>
      %add3A_566 = arith.constant 12800 : i32
      %add3A_567 = arith.addi %add3A_566, %mul3A_525 : i32
      %get3A_568 = arith.index_cast %add3A_567 : i32 to index
      %get3A_569 = tpu.vector_load %arg4[%get3A_568] {strides = array<i32>} : memref<13824xf32, #tpu.memory_space<vmem>>, vector<16xf32>,
      %get3A_570 = vector.shape_cast %get3A_569 : vector<16xf32> to vector<16xf32>
      %abs3A_571 = math.absf %get3A_570 : vector<16xf32>
      %add3A_572 = arith.constant 13312 : i32
      %add3A_573 = arith.addi %add3A_572, %mul3A_525 : i32
      %get3A_574 = arith.index_cast %add3A_573 : i32 to index
      %get3A_575 = tpu.vector_load %arg4[%get3A_574] {strides = array<i32>} : memref<13824xf32, #tpu.memory_space<vmem>>, vector<16xf32>,
      %get3A_576 = vector.shape_cast %get3A_575 : vector<16xf32> to vector<16xf32>
      %abs3A_577 = math.absf %get3A_576 : vector<16xf32>
      %add3A_578 = arith.addf %scan3A_518, %broadcast_in_dim3A_245 : vector<16xf32>
      %add3A_579 = arith.addf %scan3A_519, %broadcast_in_dim3A_245 : vector<16xf32>
      %add3A_580 = arith.addf %scan3A_520, %broadcast_in_dim3A_245 : vector<16xf32>
      %add3A_581 = arith.addf %scan3A_521, %broadcast_in_dim3A_245 : vector<16xf32>
      %add3A_582 = arith.addf %broadcast_in_dim3A_245, %abs3A : vector<16xf32>
      %add3A_583 = arith.addf %add3A_582, %abs3A_541 : vector<16xf32>
      %add3A_584 = arith.addf %add3A_583, %abs3A_553 : vector<16xf32>
      %add3A_585 = arith.addf %add3A_584, %abs3A_565 : vector<16xf32>
      %add3A_586 = arith.addf %add3A_585, %abs3A_577 : vector<16xf32>
      %add3A_587 = arith.addf %scan3A_522, %add3A_586 : vector<16xf32>
      %add3A_588 = arith.addf %broadcast_in_dim3A_245, %abs3A_535 : vector<16xf32>
      %add3A_589 = arith.addf %add3A_588, %abs3A_547 : vector<16xf32>
      %add3A_590 = arith.addf %add3A_589, %abs3A_559 : vector<16xf32>
      %add3A_591 = arith.addf %add3A_590, %abs3A_571 : vector<16xf32>
      %add3A_592 = arith.addf %scan3A_523, %add3A_591 : vector<16xf32>
      scf.yield %add3A_578, %add3A_579, %add3A_580, %add3A_581, %add3A_587, %add3A_592 : vector<16xf32>, vector<16xf32>, vector<16xf32>, vector<16xf32>, vector<16xf32>, vector<16xf32>
    }
    %scan3A_504 = arith.constant 32 : i32
    %add3A_505 = arith.addf %scan3A_503#0, %scan3A_503#1 : vector<16xf32>
    %add3A_506 = arith.addf %scan3A_503#2, %scan3A_503#3 : vector<16xf32>
    %sub3A = arith.subf %add3A_505, %add3A_506 : vector<16xf32>
    %add3A_507 = arith.addf %scan3A_503#4, %scan3A_503#5 : vector<16xf32>
    %add3A_508 = arith.addf %sub3A, %add3A_507 : vector<16xf32>
    %mul3A_509 = arith.constant 2.26056136E-6 : f32
    %mul3A_510 = vector.broadcast %mul3A_509 : f32 to vector<16xf32>
    %mul3A_511 = arith.mulf %add3A_508, %mul3A_510 : vector<16xf32>
    %swap3A = arith.constant 0 : index
    %swap3A_512 = tpu.vector_load %arg5[%swap3A] {strides = array<i32>} : memref<16xf32, #tpu.memory_space<vmem>>, vector<16xf32>,
    %swap3A_513 = vector.shape_cast %swap3A_512 : vector<16xf32> to vector<16xf32>
    %swap3A_514 = vector.shape_cast %mul3A_511 : vector<16xf32> to vector<16xf32>
    tpu.vector_store %arg5[%swap3A], %swap3A_514 {strides = array<i32>} : memref<16xf32, #tpu.memory_space<vmem>>, vector<16xf32>,
    %mul3A_515 = arith.constant 16 : i32
    %mul3A_516 = arith.muli %add3A, %mul3A_515 : i32
    "tpu.region"() ({
      %run_scoped3A = tpu.sem_alloc : memref<!tpu.dma_semaphore, #tpu.memory_space<semaphore_mem>>
      %dma_start3A_517 = tpu.memref_slice %arg3[%mul3A_516] : memref<512xf32, #tpu.memory_space<hbm>> -> memref<16xf32, #tpu.memory_space<hbm>>
      %dma_start3A_518 = tpu.memref_slice %arg3[%mul3A_516] : memref<512xf32, #tpu.memory_space<hbm>> -> memref<16xf32, #tpu.memory_space<hbm>>
      tpu.enqueue_dma source(%arg5 : memref<16xf32, #tpu.memory_space<vmem>>) target(%dma_start3A_518 : memref<16xf32, #tpu.memory_space<hbm>>) target_semaphore(%run_scoped3A : memref<!tpu.dma_semaphore, #tpu.memory_space<semaphore_mem>>)
      %dma_wait3A_519 = tpu.memref_slice %arg3[%mul3A_516] : memref<512xf32, #tpu.memory_space<hbm>> -> memref<16xf32, #tpu.memory_space<hbm>>
      %dma_wait3A_520 = tpu.memref_slice %arg3[%mul3A_516] : memref<512xf32, #tpu.memory_space<hbm>> -> memref<16xf32, #tpu.memory_space<hbm>>
      tpu.wait_dma2 semaphore(%run_scoped3A : memref<!tpu.dma_semaphore, #tpu.memory_space<semaphore_mem>>) src(%arg5 : memref<16xf32, #tpu.memory_space<vmem>>) dst(%dma_wait3A_520 : memref<16xf32, #tpu.memory_space<hbm>>)
      tpu.yield
    }) : () -> ()
    return
  }
}

</mosaic_0001>

<sc_bundles>
// kernel: kernel.3.cloned.1.call-start
scs
__scs_entry_jumppad:
0x0: {  	(pc) =	sbr.rel $0x88, $3  }
0x1: {  	(tag) =	ssettag $0x0;
	lr =	simm.s32 $0x1  }
0x2: {  	[smem:$0x3FA0] =	sst lr;
	_ =	strace $0xD0000000  }
0x3: {  	_ = 	snop  }
0x4: {  	_ = 	snop  }
0x5: {  	_ = 	snop  }
0x6: {  	_ = 	snop  }
0x7: {  	_ = 	snop  }
__scs_overlays_trampoline_lowered:
0x8: {  	[smem:$0x3FAF] =	sst s0  }
0x9: {  	[smem:$0x3FB0] =	sst s1  }
0xa: {  	[smem:$0x3FB1] =	sst s2  }
0xb: {  	[smem:$0x3FB2] =	sst s3  }
0xc: {  	[smem:$0x3FB3] =	sst s4  }
0xd: {  	[smem:$0x3FB4] =	sst s5  }
0xe: {  	[smem:$0x3FB5] =	sst s6  }
0xf: {  	[smem:$0x3FB6] =	sst s7  }
0x10: {  	[smem:$0x3FB7] =	sst s8  }
0x11: {  	[smem:$0x3FB8] =	sst s9;
	s0 =	simm.s32 @!p0 $0x0  }
0x12: {  	s1 =	sld [smem:$0x3F9E];
	s0 =	simm.s32 @p0 $0x1  }
0x13: {  	[smem:$0x3FB9] =	sst s0;
	s0 =	simm.s32 @!p1 $0x0  }
0x14: {  	s2 =	sld [smem:$0x3F9D];
	s0 =	simm.s32 @p1 $0x1  }
0x15: {  	[smem:$0x3FBA] =	sst s0;
	s0 =	simm.s32 @!p2 $0x0  }
0x16: {  	s3 =	sld [smem:$0x3FDB];
	s0 =	simm.s32 @p2 $0x1  }
0x17: {  	s4 =	simm.s32 $0x1BF5;
	[smem:$0x3FBC] =	sst s0  }
0x18: {  	s0 =	sld [smem:$0x3F9F];
	_ =	swait.ge [sflag:s4], $0x0  }
0x19: {  	s7 =	sld [smem:$0x3FA0]  }
0x1a: {  	s8 =	sadd.s32 $0xFFFFE003, lr  }
0x1b: {  	s9 =	sadd.s32 $0xFFFFFEF7, lr;
	s5 =	simm.s32 $0xFFFFFFFF;
	p2 =	slt.u32 s8, $0xFFFFF086  }
0x1c: {  	p1 =	slt.u32 s9, $0xF7A;
	s5 =	simm.s32 @!p2 $0x0  }
0x1d: {  	s5 =	simm.s32 @p1 $0x1;
	p0 =	seq.s32 s7, s2  }
0x1e: {  	s7 =	smul.u32 @!p0 $0xF7A, s2;
	p2 =	seq.s32 @!p0 s5, $0x0  }
0x1f: {  	s9 =	smul.u32 $0xF7A, s1;
	s8 =	simm.s32 @!p0 $0x1BF5;
	p2 =	por !p2, p0  }
0x20: {  	[sflag:s8] =	ssyncset.s32 @!p0 $0xFFFFF086;
	s6 =	sadd.s32 @!p0 s3, s7;
	s7 =	simm.s32 @!p0 $0x108  }
0x21: {  	s3 =	sadd.s32 s3, s9;
	s6 =	sadd.s32 @!p0 $0x88, s6;
	s7 =	simm.s32 @p2 $0x1082  }
0x22: {  	[simem:s7], [sflag:s8] =	dma.local @!p0 [hbm:s6], $0xF7A  }
0x23: {  	s9 =	sor.u32 $0xD0000000, s2;
	s6 =	simm.s32 $0x108;
	_ =	swait.ge @!p0 [sflag:s8], $0x0  }
0x24: {  	s3 =	sadd.s32 $0x88, s3;
	s6 =	simm.s32 @!p1 $0x1082;
	[sflag:s4] =	ssyncset.s32 $0xFFFFF086  }
0x25: {  	[simem:s6], [sflag:s4] =	dma.local [hbm:s3], $0xF7A  }
0x26: {  	[smem:$0x3FA0] =	sst s1;
	(tag) =	ssettag s2;
	_ =	strace s9  }
0x27: {  	s1 =	sld [smem:$0x3FB0]  }
0x28: {  	s2 =	sld [smem:$0x3FB1]  }
0x29: {  	s4 =	sld [smem:$0x3FB3]  }
0x2a: {  	p0 =	seq.s32 s5, $0x0;
	s5 =	sld [smem:$0x3FB4]  }
0x2b: {  	s6 =	sld [smem:$0x3FB5]  }
0x2c: {  	s7 =	sld [smem:$0x3FB6]  }
0x2d: {  	s3 =	simm.s32 $0x108;
	s8 =	sld [smem:$0x3FB7]  }
0x2e: {  	s3 =	simm.s32 @!p0 $0x1082;
	s9 =	sld [smem:$0x3FB8]  }
0x2f: {  	lr =	sadd.s32 s0, s3;
	s0 =	sld [smem:$0x3FAF]  }
0x30: {  	s3 =	sld [smem:$0x3FB2]  }
0x31: {  	[smem:$0x3FBB] =	sst s10  }
0x32: {  	s10 =	sld [smem:$0x3FB9];
	_ =	sdelay $0x3  }
0x33: {  	p0 =	seq.s32 s10, $0x1;
	s10 =	sld [smem:$0x3FBB];
	_ =	sdelay $0x3  }
0x34: {  	[smem:$0x3FBB] =	sst s10  }
0x35: {  	s10 =	sld [smem:$0x3FBA];
	_ =	sdelay $0x3  }
0x36: {  	p1 =	seq.s32 s10, $0x1;
	s10 =	sld [smem:$0x3FBB];
	_ =	sdelay $0x3  }
0x37: {  	[smem:$0x3FBB] =	sst s10  }
0x38: {  	s10 =	sld [smem:$0x3FBC]  }
0x39: {  	_ = 	snop;
	(pc) =	sbr.ind lr, $3  }
0x3a: {  	_ = 	snop  }
0x3b: {  	_ = 	snop  }
0x3c: {  	p2 =	seq.s32 s10, $0x1;
	s10 =	sld [smem:$0x3FBB]  }
0x3d: {  	_ =	shalt  }
0x3e: {  	_ =	shalt  }
0x3f: {  	_ =	shalt  }
0x40: {  	_ =	shalt  }
0x41: {  	_ =	shalt  }
0x42: {  	_ =	shalt  }
0x43: {  	_ =	shalt  }
0x44: {  	_ =	shalt  }
0x45: {  	_ =	shalt  }
0x46: {  	_ =	shalt  }
0x47: {  	_ =	shalt  }
0x48: {  	_ =	shalt  }
0x49: {  	_ =	shalt  }
0x4a: {  	_ =	shalt  }
0x4b: {  	_ =	shalt  }
0x4c: {  	_ =	shalt  }
0x4d: {  	_ =	shalt  }
0x4e: {  	_ =	shalt  }
0x4f: {  	_ =	shalt  }
0x50: {  	_ =	shalt  }
0x51: {  	_ =	shalt  }
0x52: {  	_ =	shalt  }
0x53: {  	_ =	shalt  }
0x54: {  	_ =	shalt  }
0x55: {  	_ =	shalt  }
0x56: {  	_ =	shalt  }
0x57: {  	_ =	shalt  }
0x58: {  	_ =	shalt  }
0x59: {  	_ =	shalt  }
0x5a: {  	_ =	shalt  }
0x5b: {  	_ =	shalt  }
0x5c: {  	_ =	shalt  }
0x5d: {  	_ =	shalt  }
0x5e: {  	_ =	shalt  }
0x5f: {  	_ =	shalt  }
0x60: {  	_ =	shalt  }
0x61: {  	_ =	shalt  }
0x62: {  	_ =	shalt  }
0x63: {  	_ =	shalt  }
0x64: {  	_ =	shalt  }
0x65: {  	_ =	shalt  }
0x66: {  	_ =	shalt  }
0x67: {  	_ =	shalt  }
0x68: {  	_ =	shalt  }
0x69: {  	_ =	shalt  }
0x6a: {  	_ =	shalt  }
0x6b: {  	_ =	shalt  }
0x6c: {  	_ =	shalt  }
0x6d: {  	_ =	shalt  }
0x6e: {  	_ =	shalt  }
0x6f: {  	_ =	shalt  }
0x70: {  	_ =	shalt  }
0x71: {  	_ =	shalt  }
0x72: {  	_ =	shalt  }
0x73: {  	_ =	shalt  }
0x74: {  	_ =	shalt  }
0x75: {  	_ =	shalt  }
0x76: {  	_ =	shalt  }
0x77: {  	_ =	shalt  }
0x78: {  	_ =	shalt  }
0x79: {  	_ =	shalt  }
0x7a: {  	_ =	shalt  }
0x7b: {  	_ =	shalt  }
0x7c: {  	_ =	shalt  }
0x7d: {  	_ =	shalt  }
0x7e: {  	_ =	shalt  }
0x7f: {  	_ =	shalt  }
0x80: {  	_ =	shalt  }
0x81: {  	_ =	shalt  }
0x82: {  	_ =	shalt  }
0x83: {  	_ =	shalt  }
0x84: {  	_ =	shalt  }
0x85: {  	_ =	shalt  }
0x86: {  	_ =	shalt  }
0x87: {  	_ =	shalt  }
.Lfunc_end0:
.L_simem_size_0:
called_computation_lowered:
.L_overlay_start_0:
0x88: {  	s2 =	sld [smem:$0x3FD9]  }
0x89: {  	s3 =	sld [smem:$0x3FFE];
	_ =	sdelay $0x1  }
0x8a: {  	s1 =	srdreg.scid  }
0x8b: {  	s0 =	sand.u32 $0x1, s1  }
0x8c: {  	s17 =	sshll.u32 s0, $0xA;
	s2 =	sadd.s32 s3, s2  }
0x8d: {  	s2 =	sadd.s32 s2, s17  }
0x8e: {  	[smem:$0x3FC7] =	sst s2  }
0x8f: {  	_ = 	snop  }
0x90: {  	s2 =	sld [smem:$0x3FC9];
	(tm) =	ssettm $0x1  }
0x91: {  	s18 =	sld [smem:$0x3FFB];
	_ =	sdelay $0x3  }
0x92: {  	_ =	strace s18  }
0x93: {  	s3 =	sld [smem:$0x3FFC];
	_ =	sdelay $0x3  }
0x94: {  	_ =	strace s3  }
0x95: {  	s3 =	sld [smem:$0x3FFD];
	_ =	sdelay $0x3  }
0x96: {  	_ =	strace s3  }
0x97: {  	_ =	strace $0x8FFFFFFF  }
0x98: {  	s19 =	sld [smem:$0x3FDB];
	_ =	sdelay $0x1  }
0x99: {  	s4 =	simm.s32 $_scs_section_size  }
0x9a: {  	s5 =	simm.s32 $_size__tile_overlayer_lowered;
	s6 =	simm.s32 $_tile_overlayer_lowered  }
0x9b: {  	s22 =	simm.s32 $0x1BFF;
	s21 =	sshll.u32 s6, $0x1;
	s3 =	sadd.s32 s4, s19  }
0x9c: {  	s7 =	simm.s32 $0x0;
	s20 =	sshll.u32 s5, $0x1;
	s5 =	sadd.s32 s21, s3  }
0x9d: {  	[timem:s7], [sflag:s22] =	dma.local [hbm:s5], s20  }
0x9e: {  	_ =	swait.ge [sflag:s22], s20  }
0x9f: {  	s4 =	ssub.s32 $0x0, s20;
	[sflag:s22] =	ssyncset.done $0x0  }
0xa0: {  	[sflag:s22] =	ssyncadd.s32 s4;
	_ =	sdelay $0x1  }
0xa1: {  	s23 =	simm.s32 $0x1B8B  }
0xa2: {  	_ =	swait.ge [sflag:s23], $0x1  }
0xa3: {  	[sflag:s23] =	ssyncset.done $0x0  }
0xa4: {  	s25 =	simm.s32 $0x1B8E;
	s24 =	sld [smem:$0x3FFE];
	[sflag:s23] =	ssyncadd.s32 $0xFFFFFFFF  }
0xa5: {  	s26 =	simm.s32 $execute0_lowered;
	[smem:$0x3FD2] =	sst s25  }
0xa6: {  	s5 =	sshll.u32 s26, $0x1;
	_ =	strace $0x80000046;
	[dreg:$0x1] =	wrdreg $0xFFFFFFFF  }
0xa7: {  	s28 =	simm.s32 $_size_execute0_lowered;
	s3 =	sadd.s32 s3, s5;
	[dreg:$0x0] =	wrdreg $0x0  }
0xa8: {  	s5 =	sshll.u32 s28, $0x1;
	[dreg:$0x2] =	wrdreg s3  }
0xa9: {  	[dreg:$0x3] =	wrdreg s5  }
0xaa: {  	[dreg:$0x4] =	wrdreg $0xC0  }
0xab: {  	_ =	task [dreg:s7], $0x5FFFF  }
0xac: {  	[dreg:$0x1] =	wrdreg $0xFFFFFFFF  }
0xad: {  	[dreg:$0x0] =	wrdreg $0x60  }
0xae: {  	[dreg:$0x2] =	wrdreg s2  }
0xaf: {  	[dreg:$0x3] =	wrdreg s24  }
0xb0: {  	[dreg:$0x4] =	wrdreg $0x9  }
0xb1: {  	_ =	task.clear_ibuf [dreg:s7], $0x5FFFF;
	_ =	strace $0x90000046  }
0xb2: {  	s29 =	simm.s32 $0x9;
	_ =	strace $0x80000048  }
0xb3: {  	_ =	swait.ge [sflag:s29], $0x1  }
0xb4: {  	[sflag:s29] =	ssyncadd.s32 $0xFFFFFFFF  }
0xb5: {  	_ =	strace $0x90000048  }
0xb6: {  	_ =	sfence  }
0xb7: {  	s30 =	sld [smem:$0x0];
	_ =	sdelay $0x2  }
0xb8: {  	s31 =	sshll.u32 s1, $0xD;
	s1 =	sshrl.u32 s1, $0x2  }
0xb9: {  	s3 =	sand.u32 $0x4000, s31;
	s1 =	sadd.s32 s1, s30  }
0xba: {  	s0 =	sor.u32 s3, s0;
	s1 =	sshll.u32 s1, $0x11  }
0xbb: {  	s0 =	sor.u32 s1, s0  }
0xbc: {  	s0 =	sadd.s32 $0x8F2B, s0  }
0xbd: {  	[sflag:s0] =	ssyncadd.remote.s32 $0x1  }
0xbe: {  	_ =	sfence.sel $0xFFFF  }
0xbf: {  	[dreg:$0x0] =	wrdreg $0xFFFFFFFF;
	(pc) =	sbr.abs _section_cstart, $3  }
0xc0: {  	[dreg:$0x1] =	wrdreg $0xFFFFFFFF  }
0xc1: {  	_ =	task.clear_ibuf [dreg:s7], $0x2FFFF;
	_ =	strace $0x9FFFFFFF  }
0xc2: {  	(tm) =	ssettm $0x7FFFFFFF  }
0xc3: {  	_ =	shalt  }
tec
execute0_lowered:
.L_overlay_start_1:
0x0: {  	(tag) =	ssettag $0x1  }
0x1: {  	s0 =	rddreg [dreg:$0x0]  }
0x2: {  	s1 =	rddreg [dreg:$0x1];
	s2 =	srdreg.scid  }
0x3: {  	s4 =	stileid.u32;
	s7 =	simm.s32 $0x0;
	s3 =	sand.u32 $0x1, s2  }
0x4: {  	s4 =	sshll.u32 s4, $0x1;
	s2 =	simm.s32 $0x0;
	s5 =	ssub.s32 $0x2, s3  }
0x5: {  	s4 =	sor.u32 s3, s4;
	[smem:$0x7FF] =	sst s2;
	s18 =	sshrl.u32 s5, $0x1  }
0x6: {  	s6 =	sshll.u32 s4, $0x9;
	_ =	strace $0x80000047;
	s26 =	sshll.u32 s4, $0x1  }
0x7: {  	s4 =	simm.s32 $0x400;
	s5 =	ssub.s32 s5, s18;
	s3 =	sadd.s32 s0, s6  }
0x8: {  	s6 =	simm.s32 $0x2;
	s0 =	sadd.s32 $0x30, s3;
	s19 =	sadd.s32 $0x10050, s3  }
0x9: {  	s20 =	sadd.s32 $0x14060, s3;
	s21 =	sadd.s32 $0x18040, s3;
	s22 =	sadd.s32 $0x60, s3  }
0xa: {  	s23 =	sadd.s32 $0x4010, s3;
	s24 =	sadd.s32 $0x4040, s3;
	[dreg:$0x3] =	wrdreg s0  }
0xb: {  	s25 =	sadd.s32 $0x4070, s3;
	s12 =	sadd.s32 $0x8020, s3;
	[dreg:$0x4] =	wrdreg s19  }
0xc: {  	s13 =	sadd.s32 $0x8050, s3;
	s14 =	sadd.s32 $0xC000, s3;
	[dreg:$0x5] =	wrdreg s20  }
0xd: {  	s15 =	sadd.s32 $0x10010, s3;
	s16 =	sadd.s32 $0x14000, s3;
	[dreg:$0x6] =	wrdreg s21  }
0xe: {  	s17 =	sadd.s32 $0x18010, s3;
	s18 =	sadd.s32 $0x18070, s3;
	[dreg:$0x7] =	wrdreg s22  }
0xf: {  	s28 =	sadd.s32 $0x14020, s3;
	s29 =	sadd.s32 $0x14030, s3;
	[dreg:$0x8] =	wrdreg s23  }
0x10: {  	s30 =	sadd.s32 $0x14040, s3;
	s31 =	sadd.s32 $0x1C020, s3;
	[dreg:$0x9] =	wrdreg s24  }
0x11: {  	[dreg:$0xa] =	wrdreg s25;
	s19 =	sadd.s32 $0xC030, s3;
	s20 =	sadd.s32 $0xC040, s3  }
0x12: {  	s21 =	sadd.s32 $0xC050, s3;
	s22 =	sadd.s32 $0xC060, s3;
	s23 =	sadd.s32 s1, s26  }
0x13: {  	s24 =	sadd.s32 $0xC070, s3;
	s25 =	smax.u32 s5, $0x1;
	s26 =	sadd.s32 $0x10000, s3  }
0x14: {  	s0 =	sadd.s32 $0x1C050, s3;
	s1 =	simm.s32 $0x80;
	s5 =	simm.s32 $0x1  }
.LBB2_1:
0x15: {  	[tilespmem:s2], [sflag:$0x1] =	stream.strided.gather [hbm4b:s3+s1], $0x200, s4, s1, $0x38;
	[tilespmem:$0x3680] =	vst v63  }
0x16: {  	s8 =	rddreg [dreg:$0x3];
	s9 =	simm.s32 $0x200  }
0x17: {  	[tilespmem:s9], [sflag:$0x1] =	stream.strided.gather [hbm4b:s8+s1], $0x200, s4, s1, $0x38;
	[tilespmem:$0x3680] =	vst v63  }
0x18: {  	s9 =	rddreg [dreg:$0x4]  }
0x19: {  	[tilespmem:s4], [sflag:$0x1] =	stream.strided.gather [hbm4b:s9+s1], $0x200, s4, s1, $0x38;
	[tilespmem:$0x3680] =	vst v63  }
0x1a: {  	s10 =	rddreg [dreg:$0x5];
	s11 =	simm.s32 $0x600  }
0x1b: {  	[tilespmem:s11], [sflag:$0x1] =	stream.strided.gather [hbm4b:s10+s1], $0x200, s4, s1, $0x38;
	[tilespmem:$0x3680] =	vst v63  }
0x1c: {  	s10 =	rddreg [dreg:$0x6];
	s11 =	simm.s32 $0x800  }
0x1d: {  	[tilespmem:s11], [sflag:$0x1] =	stream.strided.gather [hbm4b:s10+s1], $0x200, s4, s1, $0x38;
	[tilespmem:$0x3680] =	vst v63  }
0x1e: {  	s10 =	rddreg [dreg:$0x7];
	s11 =	simm.s32 $0xA00  }
0x1f: {  	[tilespmem:s11], [sflag:$0x1] =	stream.strided.gather [hbm4b:s10+s1], $0x200, s4, s1, $0x38;
	[tilespmem:$0x3680] =	vst v63  }
0x20: {  	s10 =	rddreg [dreg:$0x8];
	s11 =	simm.s32 $0xC00  }
0x21: {  	[tilespmem:s11], [sflag:$0x1] =	stream.strided.gather [hbm4b:s10+s1], $0x200, s4, s1, $0x38;
	[tilespmem:$0x3680] =	vst v63  }
0x22: {  	s10 =	rddreg [dreg:$0x9];
	s11 =	simm.s32 $0xE00  }
0x23: {  	[tilespmem:s11], [sflag:$0x1] =	stream.strided.gather [hbm4b:s10+s1], $0x200, s4, s1, $0x38;
	[tilespmem:$0x3680] =	vst v63  }
0x24: {  	s10 =	rddreg [dreg:$0xa];
	s11 =	simm.s32 $0x1000  }
0x25: {  	[tilespmem:s11], [sflag:$0x1] =	stream.strided.gather [hbm4b:s10+s1], $0x200, s4, s1, $0x38;
	[tilespmem:$0x3680] =	vst v63  }
0x26: {  	s9 =	simm.s32 $0x1200  }
0x27: {  	[tilespmem:s9], [sflag:$0x1] =	stream.strided.gather [hbm4b:s12+s1], $0x200, s4, s1, $0x38;
	[tilespmem:$0x3680] =	vst v63  }
0x28: {  	s10 =	simm.s32 $0x1400  }
0x29: {  	[tilespmem:s10], [sflag:$0x1] =	stream.strided.gather [hbm4b:s13+s1], $0x200, s4, s1, $0x38;
	[tilespmem:$0x3680] =	vst v63  }
0x2a: {  	s11 =	simm.s32 $0x1600  }
0x2b: {  	[tilespmem:s11], [sflag:$0x1] =	stream.strided.gather [hbm4b:s14+s1], $0x200, s4, s1, $0x38;
	[tilespmem:$0x3680] =	vst v63  }
0x2c: {  	s9 =	simm.s32 $0x1800  }
0x2d: {  	[tilespmem:s9], [sflag:$0x1] =	stream.strided.gather [hbm4b:s15+s1], $0x200, s4, s1, $0x38;
	[tilespmem:$0x3680] =	vst v63  }
0x2e: {  	s10 =	simm.s32 $0x1A00  }
0x2f: {  	[tilespmem:s10], [sflag:$0x1] =	stream.strided.gather [hbm4b:s16+s1], $0x200, s4, s1, $0x38;
	[tilespmem:$0x3680] =	vst v63  }
0x30: {  	s11 =	simm.s32 $0x1C00  }
0x31: {  	[tilespmem:s11], [sflag:$0x1] =	stream.strided.gather [hbm4b:s17+s1], $0x200, s4, s1, $0x38;
	[tilespmem:$0x3680] =	vst v63  }
0x32: {  	s9 =	simm.s32 $0x1E00  }
0x33: {  	[tilespmem:s9], [sflag:$0x1] =	stream.strided.gather [hbm4b:s18+s1], $0x200, s4, s1, $0x38;
	[tilespmem:$0x3680] =	vst v63  }
0x34: {  	s10 =	simm.s32 $0x2000  }
0x35: {  	[tilespmem:s10], [sflag:$0x1] =	stream.strided.gather [hbm4b:s19+s1], $0x200, s4, s1, $0x38;
	[tilespmem:$0x3680] =	vst v63  }
0x36: {  	s11 =	simm.s32 $0x2200  }
0x37: {  	[tilespmem:s11], [sflag:$0x1] =	stream.strided.gather [hbm4b:s20+s1], $0x200, s4, s1, $0x38;
	[tilespmem:$0x3680] =	vst v63  }
0x38: {  	s9 =	simm.s32 $0x2400  }
0x39: {  	[tilespmem:s9], [sflag:$0x1] =	stream.strided.gather [hbm4b:s21+s1], $0x200, s4, s1, $0x38;
	[tilespmem:$0x3680] =	vst v63  }
0x3a: {  	s10 =	simm.s32 $0x2600  }
0x3b: {  	[tilespmem:s10], [sflag:$0x1] =	stream.strided.gather [hbm4b:s22+s1], $0x200, s4, s1, $0x38;
	[tilespmem:$0x3680] =	vst v63  }
0x3c: {  	s11 =	simm.s32 $0x2800  }
0x3d: {  	[tilespmem:s11], [sflag:$0x1] =	stream.strided.gather [hbm4b:s24+s1], $0x200, s4, s1, $0x38;
	[tilespmem:$0x3680] =	vst v63  }
0x3e: {  	s9 =	simm.s32 $0x2A00  }
0x3f: {  	[tilespmem:s9], [sflag:$0x1] =	stream.strided.gather [hbm4b:s26+s1], $0x200, s4, s1, $0x38;
	[tilespmem:$0x3680] =	vst v63  }
0x40: {  	s10 =	simm.s32 $0x2C00  }
0x41: {  	[tilespmem:s10], [sflag:$0x1] =	stream.strided.gather [hbm4b:s28+s1], $0x200, s4, s1, $0x38;
	[tilespmem:$0x3680] =	vst v63  }
0x42: {  	s11 =	simm.s32 $0x2E00  }
0x43: {  	[tilespmem:s11], [sflag:$0x1] =	stream.strided.gather [hbm4b:s29+s1], $0x200, s4, s1, $0x38;
	[tilespmem:$0x3680] =	vst v63  }
0x44: {  	s9 =	simm.s32 $0x3000  }
0x45: {  	[tilespmem:s9], [sflag:$0x1] =	stream.strided.gather [hbm4b:s30+s1], $0x200, s4, s1, $0x38;
	[tilespmem:$0x3680] =	vst v63  }
0x46: {  	s10 =	simm.s32 $0x3200  }
0x47: {  	[tilespmem:s10], [sflag:$0x1] =	stream.strided.gather [hbm4b:s31+s1], $0x200, s4, s1, $0x38;
	[tilespmem:$0x3680] =	vst v63  }
0x48: {  	s11 =	simm.s32 $0x3400  }
0x49: {  	[tilespmem:s11], [sflag:$0x1] =	stream.strided.gather [hbm4b:s0+s1], $0x200, s4, s1, $0x38;
	[tilespmem:$0x3680] =	vst v63  }
0x4a: {  	_ =	swait.ge [sflag:s5], $0x200  }
0x4b: {  	[sflag:s5] =	ssyncset.done $0x0  }
0x4c: {  	[sflag:s5] =	ssyncadd.s32 $0xFFFFFE00  }
0x4d: {  	_ =	swait.ge [sflag:s5], $0x200  }
0x4e: {  	[sflag:s5] =	ssyncset.done $0x0  }
0x4f: {  	[sflag:s5] =	ssyncadd.s32 $0xFFFFFE00  }
0x50: {  	_ =	swait.ge [sflag:s5], $0x200  }
0x51: {  	[sflag:s5] =	ssyncset.done $0x0  }
0x52: {  	[sflag:s5] =	ssyncadd.s32 $0xFFFFFE00  }
0x53: {  	_ =	swait.ge [sflag:s5], $0x200  }
0x54: {  	[sflag:s5] =	ssyncset.done $0x0  }
0x55: {  	[sflag:s5] =	ssyncadd.s32 $0xFFFFFE00  }
0x56: {  	_ =	swait.ge [sflag:s5], $0x200  }
0x57: {  	[sflag:s5] =	ssyncset.done $0x0  }
0x58: {  	[sflag:s5] =	ssyncadd.s32 $0xFFFFFE00  }
0x59: {  	_ =	swait.ge [sflag:s5], $0x200  }
0x5a: {  	[sflag:s5] =	ssyncset.done $0x0  }
0x5b: {  	[sflag:s5] =	ssyncadd.s32 $0xFFFFFE00  }
0x5c: {  	_ =	swait.ge [sflag:s5], $0x200  }
0x5d: {  	[sflag:s5] =	ssyncset.done $0x0  }
0x5e: {  	[sflag:s5] =	ssyncadd.s32 $0xFFFFFE00  }
0x5f: {  	_ =	swait.ge [sflag:s5], $0x200  }
0x60: {  	[sflag:s5] =	ssyncset.done $0x0  }
0x61: {  	[sflag:s5] =	ssyncadd.s32 $0xFFFFFE00  }
0x62: {  	_ =	swait.ge [sflag:s5], $0x200  }
0x63: {  	[sflag:s5] =	ssyncset.done $0x0  }
0x64: {  	[sflag:s5] =	ssyncadd.s32 $0xFFFFFE00  }
0x65: {  	s8 =	sand.u32 $0x1F0, s2;
	v0 =	vld [tilespmem:s2+$0x0]  }
0x66: {  	v1 =	vld [tilespmem:s8+$0x400]  }
0x67: {  	v2 =	vld [tilespmem:s8+$0x200]  }
0x68: {  	v7 =	vld [tilespmem:s8+$0x800];
	_ =	sdelay $0x1  }
0x69: {  	v8 =	vld [tilespmem:s8+$0xA00];
	v0 =	vmax.f32 v0, $0.0e+00  }
0x6a: {  	v4 =	vld [tilespmem:s8+$0xC00];
	v0 =	vadd.f32 $0.0e+00, v0  }
0x6b: {  	v3 =	vimm.f32 $0.0e+00;
	v6 =	vld [tilespmem:s8+$0x600];
	v1 =	vmax.f32 v1, $0.0e+00;
	v2 =	vmax.f32 v2, $0.0e+00  }
0x6c: {  	s9 =	simm.s32 $0x10;
	v5 =	vld [tilespmem:s8+$0xE00];
	v11 =	vmax.f32 v7, $0.0e+00;
	v9 =	vadd.f32 $0.0e+00, v2;
	v10 =	vadd.f32 v1, v0  }
0x6d: {  	s10 =	simm.s32 $0x20;
	s11 =	simm.s32 $0x10;
	v7 =	vld [tilespmem:s9+$0x0];
	v2 =	vimm.f32 $0.0e+00;
	v1 =	vimm.f32 $0.0e+00;
	v0 =	vimm.f32 $0.0e+00  }
.LBB2_2:
0x6e: {  	p0 =	sne.s32 s10, $0x1F0;
	v8 =	vmin.f32 v8, $0.0e+00;
	v12 =	vld [tilespmem:s8+$0x1000];
	s8 =	sand.u32 $0x1F0, s9;
	v10 =	vadd.f32 v11, v10;
	s9 =	smov.u32 s10  }
0x6f: {  	v11 =	vld [tilespmem:s8+$0x400];
	v4 =	vmin.f32 v4, $0.0e+00;
	v13 =	vadd.f32 $0.0e+00, v8  }
0x70: {  	v14 =	vld [tilespmem:s8+$0x200];
	v6 =	vmax.f32 v6, $0.0e+00;
	v3 =	vadd.f32 v10, v3;
	v10 =	vadd.f32 $0.0e+00, v4  }
0x71: {  	v15 =	vld [tilespmem:s8+$0x800];
	v4 =	vmin.f32 v5, $0.0e+00;
	v5 =	vadd.f32 v6, v9  }
.Ltmp0:
0x72: {  	v6 =	vmax.f32 v7, $0.0e+00;
	v8 =	vld [tilespmem:s8+$0xA00];
	v7 =	vadd.f32 v4, v13;
	(pc) =	sbr.rel @p0 .LBB2_2-.Ltmp0, $4  }
0x73: {  	v4 =	vld [tilespmem:s8+$0xC00];
	v9 =	vadd.f32 $0.0e+00, v6;
	v12 =	vmin.f32 v12, $0.0e+00;
	v2 =	vadd.f32 v5, v2  }
0x74: {  	v11 =	vmax.f32 v11, $0.0e+00;
	v6 =	vld [tilespmem:s8+$0x600];
	v1 =	vadd.f32 v7, v1;
	v12 =	vadd.f32 v12, v10  }
0x75: {  	s11 =	sadd.s32 $0x10, s11;
	v13 =	vmax.f32 v14, $0.0e+00;
	v5 =	vld [tilespmem:s8+$0xE00];
	v10 =	vadd.f32 v11, v9  }
0x76: {  	s10 =	sadd.s32 $0x10, s10;
	v7 =	vld [tilespmem:s11+$0x0];
	v11 =	vmax.f32 v15, $0.0e+00;
	v9 =	vadd.f32 $0.0e+00, v13;
	v0 =	vadd.f32 v12, v0  }
0x77: {  	s9 =	sand.u32 $0x1F0, s9;
	v12 =	vld [tilespmem:s8+$0x1000]  }
0x78: {  	v13 =	vld [tilespmem:s9+$0x400]  }
0x79: {  	v14 =	vld [tilespmem:s9+$0x200]  }
0x7a: {  	v15 =	vld [tilespmem:s9+$0x800]  }
0x7b: {  	v16 =	vld [tilespmem:s9+$0xA00]  }
0x7c: {  	v17 =	vld [tilespmem:s9+$0xC00]  }
0x7d: {  	v18 =	vld [tilespmem:s9+$0x600]  }
0x7e: {  	v19 =	vld [tilespmem:s9+$0xE00]  }
0x7f: {  	v20 =	vld [tilespmem:s9+$0x1000];
	_ =	swait.ge [sflag:s5], $0x200  }
0x80: {  	[sflag:s5] =	ssyncset.done $0x0  }
0x81: {  	[sflag:s5] =	ssyncadd.s32 $0xFFFFFE00  }
0x82: {  	_ =	swait.ge [sflag:s5], $0x200  }
0x83: {  	[sflag:s5] =	ssyncset.done $0x0  }
0x84: {  	[sflag:s5] =	ssyncadd.s32 $0xFFFFFE00  }
0x85: {  	_ =	swait.ge [sflag:s5], $0x200  }
0x86: {  	[sflag:s5] =	ssyncset.done $0x0  }
0x87: {  	[sflag:s5] =	ssyncadd.s32 $0xFFFFFE00  }
0x88: {  	_ =	swait.ge [sflag:s5], $0x200  }
0x89: {  	[sflag:s5] =	ssyncset.done $0x0  }
0x8a: {  	[sflag:s5] =	ssyncadd.s32 $0xFFFFFE00  }
0x8b: {  	_ =	swait.ge [sflag:s5], $0x200  }
0x8c: {  	[sflag:s5] =	ssyncset.done $0x0  }
0x8d: {  	[sflag:s5] =	ssyncadd.s32 $0xFFFFFE00  }
0x8e: {  	_ =	swait.ge [sflag:s5], $0x200  }
0x8f: {  	[sflag:s5] =	ssyncset.done $0x0  }
0x90: {  	[sflag:s5] =	ssyncadd.s32 $0xFFFFFE00  }
0x91: {  	_ =	swait.ge [sflag:s5], $0x200  }
0x92: {  	[sflag:s5] =	ssyncset.done $0x0  }
0x93: {  	v8 =	vmin.f32 v8, $0.0e+00;
	[sflag:s5] =	ssyncadd.s32 $0xFFFFFE00  }
0x94: {  	v10 =	vadd.f32 v11, v10;
	v8 =	vadd.f32 $0.0e+00, v8;
	v6 =	vmax.f32 v6, $0.0e+00;
	_ =	swait.ge [sflag:s5], $0x200  }
0x95: {  	v4 =	vmin.f32 v4, $0.0e+00;
	v6 =	vadd.f32 v6, v9;
	v5 =	vmin.f32 v5, $0.0e+00;
	[sflag:s5] =	ssyncset.done $0x0  }
0x96: {  	v4 =	vadd.f32 $0.0e+00, v4;
	v5 =	vadd.f32 v5, v8;
	v7 =	vmax.f32 v7, $0.0e+00;
	[sflag:s5] =	ssyncadd.s32 $0xFFFFFE00  }
0x97: {  	v2 =	vadd.f32 v6, v2;
	v6 =	vadd.f32 $0.0e+00, v7;
	v7 =	vmin.f32 v12, $0.0e+00;
	_ =	swait.ge [sflag:s5], $0x200  }
0x98: {  	s10 =	simm.s32 $0x0;
	v5 =	vadd.f32 v5, v1;
	v1 =	vadd.f32 v7, v4;
	v4 =	vmax.f32 v13, $0.0e+00;
	[sflag:s5] =	ssyncset.done $0x0  }
0x99: {  	s10 =	sand.u32 $0x1F0, s10;
	v4 =	vadd.f32 v4, v6;
	[sflag:s5] =	ssyncadd.s32 $0xFFFFFE00  }
0x9a: {  	v3 =	vadd.f32 v10, v3;
	v7 =	vmax.f32 v14, $0.0e+00;
	v6 =	vmax.f32 v15, $0.0e+00;
	v9 =	vld [tilespmem:s10+$0x1200]  }
0x9b: {  	v10 =	vadd.f32 v1, v0;
	v0 =	vmin.f32 v16, $0.0e+00;
	v1 =	vadd.f32 v6, v4;
	v6 =	vld [tilespmem:s10+$0x1400]  }
0x9c: {  	v7 =	vadd.f32 $0.0e+00, v7;
	v4 =	vmin.f32 v17, $0.0e+00;
	v0 =	vadd.f32 $0.0e+00, v0;
	v12 =	vld [tilespmem:s10+$0x1600]  }
0x9d: {  	v8 =	vmax.f32 v18, $0.0e+00;
	v11 =	vmin.f32 v19, $0.0e+00;
	v4 =	vadd.f32 $0.0e+00, v4;
	v13 =	vld [tilespmem:s10+$0x1800]  }
0x9e: {  	v7 =	vadd.f32 v8, v7;
	v8 =	vmin.f32 v20, $0.0e+00;
	v11 =	vadd.f32 v11, v0  }
0x9f: {  	v0 =	vadd.f32 v1, v3;
	v3 =	vadd.f32 v8, v4;
	v8 =	vld [tilespmem:s10+$0x1A00]  }
0xa0: {  	v1 =	vadd.f32 v7, v2;
	v2 =	vadd.f32 v11, v5;
	v4 =	vmin.f32 v9, $0.0e+00;
	v9 =	vld [tilespmem:s10+$0x1C00]  }
0xa1: {  	v5 =	vadd.f32 v3, v10;
	v10 =	vld [tilespmem:s10+$0x1E00];
	v3 =	vmin.f32 v6, $0.0e+00;
	v14 =	vadd.f32 $0.0e+00, v4  }
0xa2: {  	s11 =	simm.s32 $0x10;
	v7 =	vld [tilespmem:s10+$0x2000];
	v12 =	vmin.f32 v12, $0.0e+00;
	v13 =	vmin.f32 v13, $0.0e+00;
	v11 =	vadd.f32 $0.0e+00, v3  }
0xa3: {  	s8 =	sand.u32 $0x1F0, s11;
	s9 =	simm.s32 $0x20;
	v6 =	vld [tilespmem:s10+$0x2200];
	v4 =	vimm.f32 $0.0e+00;
	v3 =	vimm.f32 $0.0e+00;
	v12 =	vadd.f32 v12, v14  }
.LBB2_4:
0xa4: {  	p0 =	sne.s32 s9, $0x1F0;
	v14 =	vld [tilespmem:s8+$0x1200];
	v8 =	vmin.f32 v8, $0.0e+00;
	v11 =	vadd.f32 v13, v11  }
0xa5: {  	v13 =	vld [tilespmem:s8+$0x1400];
	v9 =	vmin.f32 v9, $0.0e+00;
	v8 =	vadd.f32 v8, v12  }
0xa6: {  	v12 =	vld [tilespmem:s8+$0x1600];
	v10 =	vmin.f32 v10, $0.0e+00;
	v9 =	vadd.f32 v9, v11  }
0xa7: {  	v15 =	vld [tilespmem:s8+$0x1800];
	v7 =	vand.u32 $0x7FFFFFFF, v7;
	v10 =	vadd.f32 v10, v8  }
.Ltmp1:
0xa8: {  	v8 =	vld [tilespmem:s8+$0x1A00];
	v6 =	vand.u32 $0x7FFFFFFF, v6;
	v5 =	vadd.f32 v9, v5;
	v4 =	vadd.f32 v7, v4;
	(pc) =	sbr.rel @p0 .LBB2_4-.Ltmp1, $4  }
0xa9: {  	v7 =	vmin.f32 v14, $0.0e+00;
	v9 =	vld [tilespmem:s8+$0x1C00];
	v2 =	vadd.f32 v10, v2;
	v3 =	vadd.f32 v6, v3  }
0xaa: {  	v6 =	vmin.f32 v13, $0.0e+00;
	v10 =	vld [tilespmem:s8+$0x1E00];
	v14 =	vadd.f32 $0.0e+00, v7  }
0xab: {  	v12 =	vmin.f32 v12, $0.0e+00;
	v7 =	vld [tilespmem:s8+$0x2000];
	v11 =	vadd.f32 $0.0e+00, v6  }
0xac: {  	v13 =	vmin.f32 v15, $0.0e+00;
	v6 =	vld [tilespmem:s8+$0x2200];
	s8 =	sand.u32 $0x1F0, s9;
	s9 =	sadd.s32 $0x10, s9;
	v12 =	vadd.f32 v12, v14  }
0xad: {  	v14 =	vld [tilespmem:s8+$0x1200]  }
0xae: {  	v15 =	vld [tilespmem:s8+$0x1400]  }
0xaf: {  	v16 =	vld [tilespmem:s8+$0x1600]  }
0xb0: {  	v17 =	vld [tilespmem:s8+$0x1800]  }
0xb1: {  	v18 =	vld [tilespmem:s8+$0x1A00]  }
0xb2: {  	v19 =	vld [tilespmem:s8+$0x1C00]  }
0xb3: {  	v20 =	vld [tilespmem:s8+$0x1E00]  }
0xb4: {  	v21 =	vld [tilespmem:s8+$0x2000]  }
0xb5: {  	v22 =	vld [tilespmem:s8+$0x2200];
	_ =	swait.ge [sflag:s5], $0x200  }
0xb6: {  	[sflag:s5] =	ssyncset.done $0x0  }
0xb7: {  	[sflag:s5] =	ssyncadd.s32 $0xFFFFFE00  }
0xb8: {  	_ =	swait.ge [sflag:s5], $0x200  }
0xb9: {  	[sflag:s5] =	ssyncset.done $0x0  }
0xba: {  	[sflag:s5] =	ssyncadd.s32 $0xFFFFFE00  }
0xbb: {  	_ =	swait.ge [sflag:s5], $0x200  }
0xbc: {  	[sflag:s5] =	ssyncset.done $0x0  }
0xbd: {  	[sflag:s5] =	ssyncadd.s32 $0xFFFFFE00  }
0xbe: {  	_ =	swait.ge [sflag:s5], $0x200  }
0xbf: {  	[sflag:s5] =	ssyncset.done $0x0  }
0xc0: {  	[sflag:s5] =	ssyncadd.s32 $0xFFFFFE00  }
0xc1: {  	_ =	swait.ge [sflag:s5], $0x200  }
0xc2: {  	[sflag:s5] =	ssyncset.done $0x0  }
0xc3: {  	[sflag:s5] =	ssyncadd.s32 $0xFFFFFE00  }
0xc4: {  	_ =	swait.ge [sflag:s5], $0x200  }
0xc5: {  	[sflag:s5] =	ssyncset.done $0x0  }
0xc6: {  	[sflag:s5] =	ssyncadd.s32 $0xFFFFFE00  }
0xc7: {  	_ =	swait.ge [sflag:s5], $0x200  }
0xc8: {  	[sflag:s5] =	ssyncset.done $0x0  }
0xc9: {  	[sflag:s5] =	ssyncadd.s32 $0xFFFFFE00  }
0xca: {  	_ =	swait.ge [sflag:s5], $0x200  }
0xcb: {  	[sflag:s5] =	ssyncset.done $0x0  }
0xcc: {  	v11 =	vadd.f32 v13, v11;
	v8 =	vmin.f32 v8, $0.0e+00;
	[sflag:s5] =	ssyncadd.s32 $0xFFFFFE00  }
0xcd: {  	v8 =	vadd.f32 v8, v12;
	v9 =	vmin.f32 v9, $0.0e+00;
	_ =	swait.ge [sflag:s5], $0x200  }
0xce: {  	s10 =	simm.s32 $0x0;
	v9 =	vadd.f32 v9, v11;
	v10 =	vmin.f32 v10, $0.0e+00;
	v11 =	vmin.f32 v14, $0.0e+00;
	[sflag:s5] =	ssyncset.done $0x0  }
0xcf: {  	s9 =	sand.u32 $0x1F0, s10;
	v8 =	vadd.f32 v10, v8;
	v10 =	vmin.f32 v15, $0.0e+00;
	v11 =	vadd.f32 $0.0e+00, v11;
	[sflag:s5] =	ssyncadd.s32 $0xFFFFFE00  }
0xd0: {  	v5 =	vadd.f32 v9, v5;
	v9 =	vmin.f32 v16, $0.0e+00;
	v10 =	vadd.f32 $0.0e+00, v10;
	v12 =	vld [tilespmem:s9+$0x2400]  }
0xd1: {  	v7 =	vand.u32 $0x7FFFFFFF, v7;
	v13 =	vmin.f32 v17, $0.0e+00;
	v9 =	vadd.f32 v9, v11;
	v11 =	vld [tilespmem:s9+$0x2800]  }
0xd2: {  	v4 =	vadd.f32 v7, v4;
	v7 =	vmin.f32 v18, $0.0e+00;
	v10 =	vadd.f32 v13, v10;
	v13 =	vld [tilespmem:s9+$0x2600]  }
0xd3: {  	v14 =	vadd.f32 v8, v2;
	v2 =	vmin.f32 v19, $0.0e+00;
	v7 =	vadd.f32 v7, v9;
	v9 =	vld [tilespmem:s9+$0x2C00]  }
0xd4: {  	v6 =	vand.u32 $0x7FFFFFFF, v6;
	v8 =	vmin.f32 v20, $0.0e+00;
	v2 =	vadd.f32 v2, v10;
	v15 =	vld [tilespmem:s9+$0x2A00]  }
0xd5: {  	v10 =	vadd.f32 v6, v3;
	v3 =	vand.u32 $0x7FFFFFFF, v21;
	v63 =	vadd.f32 v8, v7;
	v6 =	vld [tilespmem:s9+$0x3000]  }
0xd6: {  	v2 =	vadd.f32 v2, v5;
	v7 =	vld [tilespmem:s9+$0x2E00];
	v5 =	vand.u32 $0x7FFFFFFF, v12;
	v8 =	vand.u32 $0x7FFFFFFF, v11  }
0xd7: {  	s11 =	simm.s32 $0x10;
	v4 =	vadd.f32 v3, v4;
	v11 =	vand.u32 $0x7FFFFFFF, v22;
	v12 =	vadd.f32 v8, v5;
	v8 =	vld [tilespmem:s9+$0x3400]  }
0xd8: {  	s8 =	sand.u32 $0x1F0, s11;
	v3 =	vadd.f32 v63, v14;
	v14 =	vand.u32 $0x7FFFFFFF, v9;
	v5 =	vadd.f32 v11, v10;
	v10 =	vld [tilespmem:s9+$0x3200]  }
0xd9: {  	v9 =	vld [tilespmem:s8+$0x2400];
	v11 =	vand.u32 $0x7FFFFFFF, v13;
	s9 =	simm.s32 $0x20;
	v13 =	vand.u32 $0x7FFFFFFF, v15;
	v12 =	vadd.f32 v14, v12  }
.LBB2_6:
0xda: {  	p0 =	sne.s32 s9, $0x1F0;
	v14 =	vld [tilespmem:s8+$0x2800];
	v6 =	vand.u32 $0x7FFFFFFF, v6;
	v11 =	vadd.f32 v13, v11  }
0xdb: {  	v13 =	vld [tilespmem:s8+$0x2600];
	v7 =	vand.u32 $0x7FFFFFFF, v7;
	v6 =	vadd.f32 v6, v12  }
0xdc: {  	v12 =	vld [tilespmem:s8+$0x2C00];
	v8 =	vand.u32 $0x7FFFFFFF, v8;
	v7 =	vadd.f32 v7, v11  }
0xdd: {  	v15 =	vld [tilespmem:s8+$0x2A00];
	v10 =	vand.u32 $0x7FFFFFFF, v10;
	v8 =	vadd.f32 v8, v6  }
.Ltmp2:
0xde: {  	v6 =	vld [tilespmem:s8+$0x3000];
	v10 =	vadd.f32 v10, v7;
	(pc) =	sbr.rel @p0 .LBB2_6-.Ltmp2, $4  }
0xdf: {  	v9 =	vand.u32 $0x7FFFFFFF, v9;
	v14 =	vand.u32 $0x7FFFFFFF, v14;
	v7 =	vld [tilespmem:s8+$0x2E00];
	v4 =	vadd.f32 v8, v4  }
0xe0: {  	v11 =	vand.u32 $0x7FFFFFFF, v13;
	v8 =	vld [tilespmem:s8+$0x3400];
	v14 =	vadd.f32 v14, v9;
	v5 =	vadd.f32 v10, v5  }
0xe1: {  	v12 =	vand.u32 $0x7FFFFFFF, v12;
	v10 =	vld [tilespmem:s8+$0x3200];
	s8 =	sand.u32 $0x1F0, s9  }
0xe2: {  	s9 =	sadd.s32 $0x10, s9;
	v9 =	vld [tilespmem:s8+$0x2400];
	v13 =	vand.u32 $0x7FFFFFFF, v15;
	v12 =	vadd.f32 v12, v14  }
0xe3: {  	v14 =	vld [tilespmem:s8+$0x2800]  }
0xe4: {  	v15 =	vld [tilespmem:s8+$0x2600]  }
0xe5: {  	v16 =	vld [tilespmem:s8+$0x2C00]  }
0xe6: {  	v6 =	vand.u32 $0x7FFFFFFF, v6;
	v11 =	vadd.f32 v13, v11;
	v49 =	vld [tilespmem:s8+$0x2A00]  }
0xe7: {  	v50 =	vld [tilespmem:s8+$0x3000];
	v7 =	vand.u32 $0x7FFFFFFF, v7;
	v6 =	vadd.f32 v6, v12  }
0xe8: {  	v51 =	vld [tilespmem:s8+$0x2E00];
	v8 =	vand.u32 $0x7FFFFFFF, v8;
	v7 =	vadd.f32 v7, v11;
	v10 =	vand.u32 $0x7FFFFFFF, v10  }
0xe9: {  	v54 =	vld [tilespmem:s8+$0x3400];
	v6 =	vadd.f32 v8, v6;
	v52 =	vand.u32 $0x7FFFFFFF, v9;
	v53 =	vand.u32 $0x7FFFFFFF, v14  }
0xea: {  	v55 =	vld [tilespmem:s8+$0x3200];
	v7 =	vadd.f32 v10, v7;
	v8 =	vadd.f32 v53, v52  }
0xeb: {  	v56 =	vand.u32 $0x7FFFFFFF, v15;
	v57 =	vand.u32 $0x7FFFFFFF, v16;
	v13 =	vand.u32 $0x7FFFFFFF, v49  }
0xec: {  	v10 =	vadd.f32 v13, v56;
	v8 =	vadd.f32 v57, v8  }
0xed: {  	v4 =	vadd.f32 v6, v4;
	v58 =	vand.u32 $0x7FFFFFFF, v50;
	v11 =	vand.u32 $0x7FFFFFFF, v51  }
0xee: {  	v59 =	vadd.f32 v11, v10;
	v6 =	vadd.f32 v58, v8  }
0xef: {  	v60 =	vand.u32 $0x7FFFFFFF, v54;
	v9 =	vand.u32 $0x7FFFFFFF, v55;
	v5 =	vadd.f32 v7, v5  }
0xf0: {  	v61 =	vadd.f32 v9, v59;
	v6 =	vadd.f32 v60, v6  }
0xf1: {  	v0 =	vadd.f32 v1, v0;
	v62 =	vadd.f32 v2, v3  }
0xf2: {  	v5 =	vadd.f32 v61, v5;
	v4 =	vadd.f32 v6, v4;
	_ =	sdelay $0x1  }
0xf3: {  	v0 =	vsub.f32 v0, v62;
	v63 =	vadd.f32 v5, v4;
	_ =	sdelay $0x1  }
0xf4: {  	v0 =	vadd.f32 v63, v0;
	_ =	sdelay $0x1  }
0xf5: {  	s7 =	sadd.s32 $0x1, s7;
	v0 =	vmul.f32 $2.260561360e-06, v0  }
0xf6: {  	p0 =	sne.s32 s7, s25  }
.Ltmp3:
0xf7: {  	s11 =	simm.s32 $0x3600;
	[tilespmem:$0x3600] =	vst v0;
	(pc) =	sbr.rel @p0 .LBB2_1-.Ltmp3, $4  }
0xf8: {  	[hbm4b:s23+s2] =	stream.linear.scatter [tilespmem:s11], [sflag:$0x2], $0x10, $0x38;
	[tilespmem:$0x3680] =	vst v63  }
0xf9: {  	_ =	swait.ge [sflag:s6], $0x10  }
0xfa: {  	[sflag:s6] =	ssyncset.done $0x0  }
0xfb: {  	[sflag:s6] =	ssyncadd.s32 $0xFFFFFFF0  }
0xfc: {  	_ =	sfence.sel $0x180000  }
0xfd: {  	[bflag:$0x0] =	sbarrier.arrive $0xFFFF  }
0xfe: {  	_ =	strace $0x90000047  }
0xff: {  	s0 =	stileid.u32;
	[bflag:$0x2] =	sbarrier.arrive $0xFFFF  }
0x100: {  	p0 =	sne.s32 s0, $0x0;
	s0 =	rddreg [dreg:$0x2]  }
0x101: {  	s0 =	sadd.s32 @!p0 $0x100000, s0  }
0x102: {  	[sflag:s0] =	ssyncadd.tile.s32 @!p0 $0x1;
	_ =	shalt  }
.Lfunc_end2:
_tile_overlayer_lowered:
.L_overlay_start_2:
0x103: {  	(tag) =	ssettag $0x2  }
0x104: {  	s0 =	rddreg [dreg:$0x0];
	s2 =	stileid.u32  }
0x105: {  	s1 =	rddreg [dreg:$0x1];
	p0 =	sne.s32 s2, $0x0  }
0x106: {  	s3 =	rddreg [dreg:$0x2];
	[bflag:$0x3] =	sbarrier.arrive $0xFFFF;
	s2 =	simm.s32 @!p0 $0x1C02  }
0x107: {  	[timem:s3], [sflag:s2] =	dma.local @!p0 [hbm:s0], s1  }
0x108: {  	s0 =	simm.s32 @!p0 $0x2  }
0x109: {  	_ =	swait.ge @!p0 [sflag:s0], s1  }
0x10a: {  	s1 =	ssub.s32 @!p0 $0x0, s1;
	[sflag:s0] =	ssyncset.done @!p0 $0x0  }
0x10b: {  	[sflag:s0] =	ssyncadd.s32 @!p0 s1  }
0x10c: {  	[bflag:$0x3] =	sbarrier.arrive $0xFFFF  }
0x10d: {  	_ =	shalt  }

</sc_bundles>
